<compile_context>
chip_gen: v7x
topology: tpu7x:2x2x1
jax: 0.10.2.dev20260603
libtpu: 0.0.44.dev20260713+nightly
codegen_flags: <defaults>
</compile_context>

<pallas_src>
import functools

import jax
import jax.numpy as jnp
from jax import lax
from jax.experimental import pallas as pl
from jax.experimental.pallas import tpu as pltpu
from jax.experimental.pallas import tpu_sc as plsc

N = 10000
E = 320000
D_NODE = 128
D_EDGE = 16
HID = 128

NC = 2
NS = 16
NW = NC * NS
EPW = E // NW
CH = 80
NCHUNK = EPW // CH

_SC_MESH = plsc.VectorSubcoreMesh(core_axis_name="c", subcore_axis_name="s")



def _prep_body(x_ref, ws_ref, wr_ref, wn_ref, nb0_ref, ps_ref, pr_ref, pn_ref):
    x = x_ref[...]
    ps_ref[...] = jnp.dot(x, ws_ref[...], preferred_element_type=jnp.float32)
    pr_ref[...] = jnp.dot(x, wr_ref[...], preferred_element_type=jnp.float32)
    pn_ref[...] = (
        jnp.dot(x, wn_ref[...], preferred_element_type=jnp.float32) + nb0_ref[...]
    )


def _edge_body(h_ref, e_ref, r8_ref, w0e_ref, b0_ref, w1t_ref, b1t_ref,
               gt_ref, betat_ref, oe_ref, ue128_ref):
    e = e_ref[...]
    h = h_ref[...] + jnp.dot(e, w0e_ref[...], preferred_element_type=jnp.float32)
    h = jnp.maximum(h + b0_ref[...], 0.0)
    up = jnp.dot(h, w1t_ref[...], preferred_element_type=jnp.float32) + b1t_ref[...]
    mu = jnp.mean(up, axis=-1, keepdims=True)
    d = up - mu
    var = jnp.mean(d * d, axis=-1, keepdims=True)
    ue = d * lax.rsqrt(var + 1e-5) * gt_ref[...] + betat_ref[...]
    oe_ref[...] = e + ue[:, :D_EDGE]
    slot = lax.broadcasted_iota(jnp.int32, ue.shape, 1) // D_EDGE
    ue128_ref[...] = jnp.where(slot == r8_ref[...], ue, 0.0)


def _node_body(pn_ref, agg_ref, x_ref, w0b_ref, w1_ref, b1_ref, g_ref, beta_ref,
               on_ref):
    a = agg_ref[0] + agg_ref[1]
    nf = jnp.maximum(
        pn_ref[...] + jnp.dot(a, w0b_ref[...], preferred_element_type=jnp.float32),
        0.0,
    )
    up = jnp.dot(nf, w1_ref[...], preferred_element_type=jnp.float32) + b1_ref[...]
    mu = jnp.mean(up, axis=-1, keepdims=True)
    d = up - mu
    var = jnp.mean(d * d, axis=-1, keepdims=True)
    un = d * lax.rsqrt(var + 1e-5) * g_ref[...] + beta_ref[...]
    on_ref[...] = x_ref[...] + un



@functools.partial(
    pl.kernel,
    out_type=jax.ShapeDtypeStruct((E, D_NODE), jnp.float32),
    mesh=_SC_MESH,
    scratch_types=[
        pltpu.VMEM((NCHUNK, CH), jnp.int32),
        pltpu.VMEM((NCHUNK, CH), jnp.int32),
        pltpu.VMEM((2, CH, D_NODE), jnp.float32),
        pltpu.VMEM((2, CH, D_NODE), jnp.float32),
        pltpu.VMEM((2, CH), jnp.int32),
        pltpu.VMEM_SHARED((NS * 2 * CH, D_NODE), jnp.float32),
        pltpu.SemaphoreType.DMA,
        pltpu.SemaphoreType.DMA,
        pltpu.SemaphoreType.DMA,
        pltpu.SemaphoreType.DMA,
        pltpu.SemaphoreType.DMA,
        pltpu.SemaphoreType.DMA,
    ],
)
def _sc_gather(ps_hbm, pr_hbm, s_hbm, r_hbm, iota_hbm, h_hbm,
               idx_s, idx_r, rows_s, rows_r, idx_dst, shared,
               sem_s0, sem_s1, sem_r0, sem_r1, sem_o0, sem_o1):
    c = lax.axis_index("c")
    s = lax.axis_index("s")
    w = s * NC + c
    pltpu.sync_copy(s_hbm.at[w], idx_s)
    pltpu.sync_copy(r_hbm.at[w], idx_r)
    pltpu.sync_copy(iota_hbm.at[s], idx_dst)
    base = w * EPW
    sems_s = (sem_s0, sem_s1)
    sems_r = (sem_r0, sem_r1)
    sems_o = (sem_o0, sem_o1)

    def sl(b):
        return shared.at[pl.ds((s * 2 + b) * CH, CH), :]

    def start(j, b):
        pltpu.async_copy(ps_hbm.at[idx_s.at[j]], rows_s.at[b], sems_s[b])
        pltpu.async_copy(pr_hbm.at[idx_r.at[j]], rows_r.at[b], sems_r[b])

    start(0, 0)

    def outer(i, carry):
        j = i * 2
        for b in range(2):
            cur = j + b

            @pl.when(cur < NCHUNK)
            def _():
                @pl.when(cur + 1 < NCHUNK)
                def _():
                    start(cur + 1, 1 - b)

                pltpu.make_async_copy(
                    ps_hbm.at[idx_s.at[cur]], rows_s.at[b], sems_s[b]).wait()
                pltpu.make_async_copy(
                    pr_hbm.at[idx_r.at[cur]], rows_r.at[b], sems_r[b]).wait()

                @pl.when(cur >= 2)
                def _():
                    pltpu.make_async_copy(
                        sl(b),
                        h_hbm.at[pl.ds(base + (cur - 2) * CH, CH), :],
                        sems_o[b]).wait()

                pltpu.sync_copy(rows_s.at[b], sl(b))
                pltpu.sync_copy(rows_r.at[b], shared.at[idx_dst.at[b]],
                                add=True)
                pltpu.async_copy(sl(b),
                                 h_hbm.at[pl.ds(base + cur * CH, CH), :],
                                 sems_o[b])
        return carry

    lax.fori_loop(0, (NCHUNK + 1) // 2, outer, 0)
    for last in (NCHUNK - 2, NCHUNK - 1):
        b = last % 2
        pltpu.make_async_copy(
            sl(b), h_hbm.at[pl.ds(base + last * CH, CH), :], sems_o[b]).wait()


NG = N // 8


@functools.partial(
    pl.kernel,
    out_type=jax.ShapeDtypeStruct((NC, NG, 128), jnp.float32),
    mesh=_SC_MESH,
    scratch_types=[
        pltpu.VMEM((NCHUNK, CH), jnp.int32),
        pltpu.VMEM((2, CH, 128), jnp.float32),
        pltpu.VMEM_SHARED((NG, 128), jnp.float32),
        pltpu.SemaphoreType.DMA,
        pltpu.SemaphoreType.DMA,
    ],
)
def _sc_scatter(ue_hbm, g_hbm, z_hbm, out_hbm, idx_g, rows, acc, sem_i0, sem_i1):
    c = lax.axis_index("c")
    s = lax.axis_index("s")
    w = s * NC + c

    @pl.when(s == 0)
    def _():
        pltpu.sync_copy(z_hbm, acc)

    pltpu.sync_copy(g_hbm.at[w], idx_g)
    plsc.subcore_barrier()
    base = w * EPW
    sems_i = (sem_i0, sem_i1)

    def start(j, b):
        pltpu.async_copy(ue_hbm.at[pl.ds(base + j * CH, CH), :], rows.at[b],
                         sems_i[b])

    start(0, 0)

    def outer(i, carry):
        j = i * 2
        for b in range(2):
            cur = j + b

            @pl.when(cur < NCHUNK)
            def _():
                @pl.when(cur + 1 < NCHUNK)
                def _():
                    start(cur + 1, 1 - b)

                pltpu.make_async_copy(
                    ue_hbm.at[pl.ds(base + cur * CH, CH), :], rows.at[b],
                    sems_i[b]).wait()
                pltpu.sync_copy(rows.at[b], acc.at[idx_g.at[cur]], add=True)
        return carry

    lax.fori_loop(0, (NCHUNK + 1) // 2, outer, 0)
    plsc.subcore_barrier()

    @pl.when(s == 0)
    def _():
        pltpu.sync_copy(acc, out_hbm.at[c])



def kernel(nodes, edges, senders, receivers, eW0, eb0, eW1, eb1, eg, ebeta,
           nW0, nb0, nW1, nb1, ng, nbeta):
    f32 = jnp.float32
    eWe = eW0[:D_EDGE]
    eWs = eW0[D_EDGE:D_EDGE + D_NODE]
    eWr = eW0[D_EDGE + D_NODE:]
    nW0a = nW0[:D_NODE]
    nW0b = nW0[D_NODE:]
    eb0_2 = eb0.reshape(1, HID)
    eW1t = jnp.tile(eW1, (1, 8))
    eb1t = jnp.tile(eb1, 8).reshape(1, HID)
    egt = jnp.tile(eg, 8).reshape(1, HID)
    ebetat = jnp.tile(ebeta, 8).reshape(1, HID)
    nb0_2 = nb0.reshape(1, HID)
    nb1_2 = nb1.reshape(1, D_NODE)
    ng_2 = ng.reshape(1, D_NODE)
    nbeta_2 = nbeta.reshape(1, D_NODE)

    BN = 2000
    ps, pr, pn = pl.pallas_call(
        _prep_body,
        grid=(N // BN,),
        in_specs=[
            pl.BlockSpec((BN, D_NODE), lambda i: (i, 0)),
            pl.BlockSpec((D_NODE, HID), lambda i: (0, 0)),
            pl.BlockSpec((D_NODE, HID), lambda i: (0, 0)),
            pl.BlockSpec((D_NODE, HID), lambda i: (0, 0)),
            pl.BlockSpec((1, HID), lambda i: (0, 0)),
        ],
        out_specs=[
            pl.BlockSpec((BN, HID), lambda i: (i, 0)),
            pl.BlockSpec((BN, HID), lambda i: (i, 0)),
            pl.BlockSpec((BN, HID), lambda i: (i, 0)),
        ],
        out_shape=[
            jax.ShapeDtypeStruct((N, HID), f32),
            jax.ShapeDtypeStruct((N, HID), f32),
            jax.ShapeDtypeStruct((N, HID), f32),
        ],
    )(nodes, eWs, eWr, nW0a, nb0_2)

    s3 = senders.reshape(NW, NCHUNK, CH)
    r3 = receivers.reshape(NW, NCHUNK, CH)
    iota2 = jnp.arange(NS * 2 * CH, dtype=jnp.int32).reshape(NS, 2, CH)
    h = _sc_gather(ps, pr, s3, r3, iota2)

    r8 = (receivers % 8).reshape(E, 1)
    BE = 4000
    out_edges, ue128 = pl.pallas_call(
        _edge_body,
        grid=(E // BE,),
        in_specs=[
            pl.BlockSpec((BE, HID), lambda i: (i, 0)),
            pl.BlockSpec((BE, D_EDGE), lambda i: (i, 0)),
            pl.BlockSpec((BE, 1), lambda i: (i, 0)),
            pl.BlockSpec((D_EDGE, HID), lambda i: (0, 0)),
            pl.BlockSpec((1, HID), lambda i: (0, 0)),
            pl.BlockSpec((HID, HID), lambda i: (0, 0)),
            pl.BlockSpec((1, HID), lambda i: (0, 0)),
            pl.BlockSpec((1, HID), lambda i: (0, 0)),
            pl.BlockSpec((1, HID), lambda i: (0, 0)),
        ],
        out_specs=[
            pl.BlockSpec((BE, D_EDGE), lambda i: (i, 0)),
            pl.BlockSpec((BE, 128), lambda i: (i, 0)),
        ],
        out_shape=[
            jax.ShapeDtypeStruct((E, D_EDGE), f32),
            jax.ShapeDtypeStruct((E, 128), f32),
        ],
    )(h, edges, r8, eWe, eb0_2, eW1t, eb1t, egt, ebetat)

    g3 = (receivers // 8).reshape(NW, NCHUNK, CH)
    zeros = jnp.zeros((NG, 128), f32)
    agg2 = _sc_scatter(ue128, g3, zeros).reshape(NC, N, D_EDGE)

    out_nodes = pl.pallas_call(
        _node_body,
        grid=(N // BN,),
        in_specs=[
            pl.BlockSpec((BN, HID), lambda i: (i, 0)),
            pl.BlockSpec((NC, BN, D_EDGE), lambda i: (0, i, 0)),
            pl.BlockSpec((BN, D_NODE), lambda i: (i, 0)),
            pl.BlockSpec((D_EDGE, HID), lambda i: (0, 0)),
            pl.BlockSpec((HID, D_NODE), lambda i: (0, 0)),
            pl.BlockSpec((1, D_NODE), lambda i: (0, 0)),
            pl.BlockSpec((1, D_NODE), lambda i: (0, 0)),
            pl.BlockSpec((1, D_NODE), lambda i: (0, 0)),
        ],
        out_specs=pl.BlockSpec((BN, D_NODE), lambda i: (i, 0)),
        out_shape=jax.ShapeDtypeStruct((N, D_NODE), f32),
    )(pn, agg2, nodes, nW0b, nW1, nb1_2, ng_2, nbeta_2)

    return (out_nodes, out_edges)

# --- scband reference (transcript-rebuilt; emitter-appended) ---
"""Pipeline reference for scband-interaction-network-23613730194127 (READ-ONLY COPY).

The authoritative reference and input builder live on the scoring server;
editing this copy changes nothing except your own understanding.
"""

import jax, jax.numpy as jnp
import numpy as np

N = 10000
E = 320000
D_NODE = 128
D_EDGE = 16
HID = 128


def _mlp_ln(x, W0, b0, W1, b1, g, b):
    h = jax.nn.relu(x @ W0 + b0)
    h = h @ W1 + b1
    mu = jnp.mean(h, axis=-1, keepdims=True)
    var = jnp.var(h, axis=-1, keepdims=True)
    return (h - mu) / jnp.sqrt(var + 1e-5) * g + b


def setup_inputs(seed: int = 0) -> dict:
    key = jax.random.key(seed)
    ks = jax.random.split(key, 8)
    nodes = jax.random.normal(ks[0], (N, D_NODE), dtype=jnp.float32)
    edges = jax.random.normal(ks[1], (E, D_EDGE), dtype=jnp.float32)
    senders = jax.random.randint(ks[2], (E,), 0, N, dtype=jnp.int32)
    receivers = jax.random.randint(ks[3], (E,), 0, N, dtype=jnp.int32)
    e_in = D_EDGE + 2 * D_NODE
    n_in = D_NODE + D_EDGE
    eW0 = jax.random.normal(ks[4], (e_in, HID), dtype=jnp.float32) / np.sqrt(e_in)
    eb0 = jnp.zeros((HID,), dtype=jnp.float32)
    eW1 = jax.random.normal(ks[5], (HID, D_EDGE), dtype=jnp.float32) / np.sqrt(HID)
    eb1 = jnp.zeros((D_EDGE,), dtype=jnp.float32)
    eg = jnp.ones((D_EDGE,), dtype=jnp.float32)
    ebeta = jnp.zeros((D_EDGE,), dtype=jnp.float32)
    nW0 = jax.random.normal(ks[6], (n_in, HID), dtype=jnp.float32) / np.sqrt(n_in)
    nb0 = jnp.zeros((HID,), dtype=jnp.float32)
    nW1 = jax.random.normal(ks[7], (HID, D_NODE), dtype=jnp.float32) / np.sqrt(HID)
    nb1 = jnp.zeros((D_NODE,), dtype=jnp.float32)
    ng = jnp.ones((D_NODE,), dtype=jnp.float32)
    nbeta = jnp.zeros((D_NODE,), dtype=jnp.float32)
    return {"nodes": nodes, "edges": edges, "senders": senders, "receivers": receivers,
            "eW0": eW0, "eb0": eb0, "eW1": eW1, "eb1": eb1, "eg": eg, "ebeta": ebeta,
            "nW0": nW0, "nb0": nb0, "nW1": nW1, "nb1": nb1, "ng": ng, "nbeta": nbeta}


def reference(nodes, edges, senders, receivers, eW0, eb0, eW1, eb1, eg, ebeta, nW0, nb0, nW1, nb1, ng, nbeta):
    sent_attributes = jnp.take(nodes, senders, axis=0)
    received_attributes = jnp.take(nodes, receivers, axis=0)
    edge_features = jnp.concatenate([edges, sent_attributes, received_attributes], axis=1)
    updated_edges = _mlp_ln(edge_features, eW0, eb0, eW1, eb1, eg, ebeta)
    agg = jax.ops.segment_sum(updated_edges, receivers, num_segments=nodes.shape[0])
    node_features = jnp.concatenate([nodes, agg], axis=1)
    updated_nodes = _mlp_ln(node_features, nW0, nb0, nW1, nb1, ng, nbeta)
    out_nodes = nodes + updated_nodes
    out_edges = edges + updated_edges
    return (out_nodes, out_edges)

if __name__ == "__main__":
    import jax
    _d = setup_inputs()
    print(jax.jit(kernel)(*tuple(_d.values())))

</pallas_src>

<mosaic_0001>
#map = affine_map<(d0, d1) -> (0, 0)>
#map1 = affine_map<(d0, d1) -> (0, 0, 0)>
module attributes {stable_mosaic.version = 14 : i64} {
  func.func @_sc_scatter(%arg0: i32, %arg1: i32, %arg2: memref<320000x128xf32, #tpu.memory_space<hbm>>, %arg3: memref<32x125x80xi32, #tpu.memory_space<hbm>>, %arg4: memref<1250x128xf32, #tpu.memory_space<hbm>>, %arg5: memref<2x1250x128xf32, #tpu.memory_space<hbm>>, %arg6: memref<125x80xi32, #tpu.memory_space<vmem>>, %arg7: memref<2x80x128xf32, #tpu.memory_space<vmem>>, %arg8: memref<1250x128xf32, #tpu.memory_space<vmem_shared>>, %arg9: memref<!tpu.dma_semaphore, #tpu.memory_space<semaphore_mem>>, %arg10: memref<!tpu.dma_semaphore, #tpu.memory_space<semaphore_mem>>) attributes {dimension_semantics = [#tpu.dimension_semantics<core_parallel>, #tpu.dimension_semantics<subcore_parallel>], iteration_bounds = array<i64: 2, 16>, scalar_prefetch = 0 : i64, scratch_operands = 5 : i64, tpu.core_type = #tpu.core_type<sc_vector_subcore>, window_params = [{transform_indices = #map}, {transform_indices = #map1}, {transform_indices = #map}, {transform_indices = #map1}]} {
    %mul3A = arith.constant 2 : i32
    %mul3A_0 = arith.muli %arg1, %mul3A : i32
    %add3A = arith.addi %mul3A_0, %arg0 : i32
    %eq3A = arith.constant 0 : i32
    %eq3A_1 = arith.cmpi eq, %arg1, %eq3A : i32
    %convert_element_type3A = arith.extui %eq3A_1 : i1 to i32
    %cond3A = arith.constant 0 : i32
    %cond3A_2 = arith.cmpi ne, %convert_element_type3A, %cond3A : i32
    scf.if %cond3A_2 {
      "tpu.region"() ({
        %run_scoped3A = tpu.sem_alloc : memref<!tpu.dma_semaphore, #tpu.memory_space<semaphore_mem>>
        tpu.enqueue_dma source(%arg4 : memref<1250x128xf32, #tpu.memory_space<hbm>>) target(%arg8 : memref<1250x128xf32, #tpu.memory_space<vmem_shared>>) target_semaphore(%run_scoped3A : memref<!tpu.dma_semaphore, #tpu.memory_space<semaphore_mem>>)
        tpu.wait_dma2 semaphore(%run_scoped3A : memref<!tpu.dma_semaphore, #tpu.memory_space<semaphore_mem>>) src(%arg4 : memref<1250x128xf32, #tpu.memory_space<hbm>>) dst(%arg8 : memref<1250x128xf32, #tpu.memory_space<vmem_shared>>)
        tpu.yield
      }) : () -> ()
    } else {
    }
    "tpu.region"() ({
      %run_scoped3A = tpu.sem_alloc : memref<!tpu.dma_semaphore, #tpu.memory_space<semaphore_mem>>
      %dma_start3A_30 = arith.constant 0 : i32
      %dma_start3A_31 = arith.constant 0 : i32
      %dma_start3A_32 = tpu.memref_slice %arg3[%add3A, %dma_start3A_30, %dma_start3A_31] : memref<32x125x80xi32, #tpu.memory_space<hbm>> -> memref<1x125x80xi32, #tpu.memory_space<hbm>>
      %dma_start3A_33 = tpu.memref_squeeze %dma_start3A_32 : memref<1x125x80xi32, #tpu.memory_space<hbm>> -> memref<125x80xi32, #tpu.memory_space<hbm>>
      %dma_start3A_34 = arith.constant 0 : i32
      %dma_start3A_35 = arith.constant 0 : i32
      %dma_start3A_36 = tpu.memref_slice %arg3[%add3A, %dma_start3A_34, %dma_start3A_35] : memref<32x125x80xi32, #tpu.memory_space<hbm>> -> memref<1x125x80xi32, #tpu.memory_space<hbm>>
      %dma_start3A_37 = tpu.memref_squeeze %dma_start3A_36 : memref<1x125x80xi32, #tpu.memory_space<hbm>> -> memref<125x80xi32, #tpu.memory_space<hbm>>
      tpu.enqueue_dma source(%dma_start3A_37 : memref<125x80xi32, #tpu.memory_space<hbm>>) target(%arg6 : memref<125x80xi32, #tpu.memory_space<vmem>>) target_semaphore(%run_scoped3A : memref<!tpu.dma_semaphore, #tpu.memory_space<semaphore_mem>>)
      %dma_wait3A = arith.constant 0 : i32
      %dma_wait3A_38 = arith.constant 0 : i32
      %dma_wait3A_39 = tpu.memref_slice %arg3[%add3A, %dma_wait3A, %dma_wait3A_38] : memref<32x125x80xi32, #tpu.memory_space<hbm>> -> memref<1x125x80xi32, #tpu.memory_space<hbm>>
      %dma_wait3A_40 = tpu.memref_squeeze %dma_wait3A_39 : memref<1x125x80xi32, #tpu.memory_space<hbm>> -> memref<125x80xi32, #tpu.memory_space<hbm>>
      %dma_wait3A_41 = arith.constant 0 : i32
      %dma_wait3A_42 = arith.constant 0 : i32
      %dma_wait3A_43 = tpu.memref_slice %arg3[%add3A, %dma_wait3A_41, %dma_wait3A_42] : memref<32x125x80xi32, #tpu.memory_space<hbm>> -> memref<1x125x80xi32, #tpu.memory_space<hbm>>
      %dma_wait3A_44 = tpu.memref_squeeze %dma_wait3A_43 : memref<1x125x80xi32, #tpu.memory_space<hbm>> -> memref<125x80xi32, #tpu.memory_space<hbm>>
      tpu.wait_dma2 semaphore(%run_scoped3A : memref<!tpu.dma_semaphore, #tpu.memory_space<semaphore_mem>>) src(%dma_wait3A_44 : memref<125x80xi32, #tpu.memory_space<hbm>>) dst(%arg6 : memref<125x80xi32, #tpu.memory_space<vmem>>)
      tpu.yield
    }) : () -> ()
    %barrier3A = arith.constant 0 : index
    tpu.barrier barrier_id(%barrier3A)
    %mul3A_3 = arith.constant 10000 : i32
    %mul3A_4 = arith.muli %add3A, %mul3A_3 : i32
    %add3A_5 = arith.constant 0 : i32
    %add3A_6 = arith.addi %mul3A_4, %add3A_5 : i32
    %dma_start3A = arith.constant 0 : i32
    %dma_start3A_7 = arith.constant 0 : i32
    %dma_start3A_8 = arith.constant 0 : i32
    %dma_start3A_9 = tpu.memref_slice %arg7[%dma_start3A, %dma_start3A_7, %dma_start3A_8] : memref<2x80x128xf32, #tpu.memory_space<vmem>> -> memref<1x80x128xf32, #tpu.memory_space<vmem>>
    %dma_start3A_10 = tpu.memref_squeeze %dma_start3A_9 : memref<1x80x128xf32, #tpu.memory_space<vmem>> -> memref<80x128xf32, #tpu.memory_space<vmem>>
    %dma_start3A_11 = arith.constant 0 : i32
    %dma_start3A_12 = tpu.memref_slice %arg2[%add3A_6, %dma_start3A_11] : memref<320000x128xf32, #tpu.memory_space<hbm>> -> memref<80x128xf32, #tpu.memory_space<hbm>>
    %dma_start3A_13 = arith.constant 0 : i32
    %dma_start3A_14 = arith.constant 0 : i32
    %dma_start3A_15 = tpu.memref_slice %arg7[%dma_start3A, %dma_start3A_13, %dma_start3A_14] : memref<2x80x128xf32, #tpu.memory_space<vmem>> -> memref<1x80x128xf32, #tpu.memory_space<vmem>>
    %dma_start3A_16 = tpu.memref_squeeze %dma_start3A_15 : memref<1x80x128xf32, #tpu.memory_space<vmem>> -> memref<80x128xf32, #tpu.memory_space<vmem>>
    %dma_start3A_17 = arith.constant 0 : i32
    %dma_start3A_18 = tpu.memref_slice %arg2[%add3A_6, %dma_start3A_17] : memref<320000x128xf32, #tpu.memory_space<hbm>> -> memref<80x128xf32, #tpu.memory_space<hbm>>
    tpu.enqueue_dma source(%dma_start3A_18 : memref<80x128xf32, #tpu.memory_space<hbm>>) target(%dma_start3A_16 : memref<80x128xf32, #tpu.memory_space<vmem>>) target_semaphore(%arg9 : memref<!tpu.dma_semaphore, #tpu.memory_space<semaphore_mem>>)
    %scan3A = arith.constant 0 : i32
    %scan3A_19 = arith.constant 0 : i32
    %scan3A_20 = arith.constant 63 : i32
    %scan3A_21 = arith.addi %scan3A_19, %scan3A_20 : i32
    %scan3A_22 = arith.constant 1 : i32
    scf.for %scan3A_30 = %scan3A_19 to %scan3A_21 step %scan3A_22  : i32 {
      %mul3A_31 = arith.constant 2 : i32
      %mul3A_32 = arith.muli %scan3A_30, %mul3A_31 : i32
      %add3A_33 = arith.constant 0 : i32
      %add3A_34 = arith.addi %mul3A_32, %add3A_33 : i32
      %lt3A = arith.constant 125 : i32
      %lt3A_35 = arith.cmpi slt, %add3A_34, %lt3A : i32
      %convert_element_type3A_36 = arith.extui %lt3A_35 : i1 to i32
      %cond3A_37 = arith.constant 0 : i32
      %cond3A_38 = arith.cmpi ne, %convert_element_type3A_36, %cond3A_37 : i32
      scf.if %cond3A_38 {
        %add3A_46 = arith.constant 1 : i32
        %add3A_47 = arith.addi %add3A_34, %add3A_46 : i32
        %lt3A_48 = arith.constant 125 : i32
        %lt3A_49 = arith.cmpi slt, %add3A_47, %lt3A_48 : i32
        %convert_element_type3A_50 = arith.extui %lt3A_49 : i1 to i32
        %cond3A_51 = arith.constant 0 : i32
        %cond3A_52 = arith.cmpi ne, %convert_element_type3A_50, %cond3A_51 : i32
        scf.if %cond3A_52 {
          %add3A_68 = arith.constant 1 : i32
          %add3A_69 = arith.addi %add3A_34, %add3A_68 : i32
          %mul3A_70 = arith.constant 80 : i32
          %mul3A_71 = arith.muli %add3A_69, %mul3A_70 : i32
          %add3A_72 = arith.addi %mul3A_4, %mul3A_71 : i32
          %dma_start3A_73 = arith.constant 1 : i32
          %dma_start3A_74 = arith.constant 0 : i32
          %dma_start3A_75 = arith.constant 0 : i32
          %dma_start3A_76 = tpu.memref_slice %arg7[%dma_start3A_73, %dma_start3A_74, %dma_start3A_75] : memref<2x80x128xf32, #tpu.memory_space<vmem>> -> memref<1x80x128xf32, #tpu.memory_space<vmem>>
          %dma_start3A_77 = tpu.memref_squeeze %dma_start3A_76 : memref<1x80x128xf32, #tpu.memory_space<vmem>> -> memref<80x128xf32, #tpu.memory_space<vmem>>
          %dma_start3A_78 = arith.constant 0 : i32
          %dma_start3A_79 = tpu.memref_slice %arg2[%add3A_72, %dma_start3A_78] : memref<320000x128xf32, #tpu.memory_space<hbm>> -> memref<80x128xf32, #tpu.memory_space<hbm>>
          %dma_start3A_80 = arith.constant 0 : i32
          %dma_start3A_81 = arith.constant 0 : i32
          %dma_start3A_82 = tpu.memref_slice %arg7[%dma_start3A_73, %dma_start3A_80, %dma_start3A_81] : memref<2x80x128xf32, #tpu.memory_space<vmem>> -> memref<1x80x128xf32, #tpu.memory_space<vmem>>
          %dma_start3A_83 = tpu.memref_squeeze %dma_start3A_82 : memref<1x80x128xf32, #tpu.memory_space<vmem>> -> memref<80x128xf32, #tpu.memory_space<vmem>>
          %dma_start3A_84 = arith.constant 0 : i32
          %dma_start3A_85 = tpu.memref_slice %arg2[%add3A_72, %dma_start3A_84] : memref<320000x128xf32, #tpu.memory_space<hbm>> -> memref<80x128xf32, #tpu.memory_space<hbm>>
          tpu.enqueue_dma source(%dma_start3A_85 : memref<80x128xf32, #tpu.memory_space<hbm>>) target(%dma_start3A_83 : memref<80x128xf32, #tpu.memory_space<vmem>>) target_semaphore(%arg10 : memref<!tpu.dma_semaphore, #tpu.memory_space<semaphore_mem>>)
        } else {
        }
        %mul3A_53 = arith.constant 80 : i32
        %mul3A_54 = arith.muli %add3A_34, %mul3A_53 : i32
        %add3A_55 = arith.addi %mul3A_4, %mul3A_54 : i32
        %dma_wait3A = arith.constant 0 : i32
        %dma_wait3A_56 = arith.constant 0 : i32
        %dma_wait3A_57 = arith.constant 0 : i32
        %dma_wait3A_58 = tpu.memref_slice %arg7[%dma_wait3A, %dma_wait3A_56, %dma_wait3A_57] : memref<2x80x128xf32, #tpu.memory_space<vmem>> -> memref<1x80x128xf32, #tpu.memory_space<vmem>>
        %dma_wait3A_59 = tpu.memref_squeeze %dma_wait3A_58 : memref<1x80x128xf32, #tpu.memory_space<vmem>> -> memref<80x128xf32, #tpu.memory_space<vmem>>
        %dma_wait3A_60 = arith.constant 0 : i32
        %dma_wait3A_61 = tpu.memref_slice %arg2[%add3A_55, %dma_wait3A_60] : memref<320000x128xf32, #tpu.memory_space<hbm>> -> memref<80x128xf32, #tpu.memory_space<hbm>>
        %dma_wait3A_62 = arith.constant 0 : i32
        %dma_wait3A_63 = arith.constant 0 : i32
        %dma_wait3A_64 = tpu.memref_slice %arg7[%dma_wait3A, %dma_wait3A_62, %dma_wait3A_63] : memref<2x80x128xf32, #tpu.memory_space<vmem>> -> memref<1x80x128xf32, #tpu.memory_space<vmem>>
        %dma_wait3A_65 = tpu.memref_squeeze %dma_wait3A_64 : memref<1x80x128xf32, #tpu.memory_space<vmem>> -> memref<80x128xf32, #tpu.memory_space<vmem>>
        %dma_wait3A_66 = arith.constant 0 : i32
        %dma_wait3A_67 = tpu.memref_slice %arg2[%add3A_55, %dma_wait3A_66] : memref<320000x128xf32, #tpu.memory_space<hbm>> -> memref<80x128xf32, #tpu.memory_space<hbm>>
        tpu.wait_dma2 semaphore(%arg9 : memref<!tpu.dma_semaphore, #tpu.memory_space<semaphore_mem>>) src(%dma_wait3A_67 : memref<80x128xf32, #tpu.memory_space<hbm>>) dst(%dma_wait3A_65 : memref<80x128xf32, #tpu.memory_space<vmem>>)
        %run_scoped3A = arith.constant 0 : i32
        "tpu.region"() ({
          %run_scoped3A_68 = tpu.sem_alloc : memref<!tpu.dma_semaphore, #tpu.memory_space<semaphore_mem>>
          %dma_start3A_69 = arith.constant 0 : i32
          %dma_start3A_70 = arith.constant 0 : i32
          %dma_start3A_71 = tpu.memref_slice %arg7[%run_scoped3A, %dma_start3A_69, %dma_start3A_70] : memref<2x80x128xf32, #tpu.memory_space<vmem>> -> memref<1x80x128xf32, #tpu.memory_space<vmem>>
          %dma_start3A_72 = tpu.memref_squeeze %dma_start3A_71 : memref<1x80x128xf32, #tpu.memory_space<vmem>> -> memref<80x128xf32, #tpu.memory_space<vmem>>
          %dma_start3A_73 = arith.constant 0 : i32
          %dma_start3A_74 = tpu.memref_slice %arg6[%add3A_34, %dma_start3A_73] : memref<125x80xi32, #tpu.memory_space<vmem>> -> memref<1x80xi32, #tpu.memory_space<vmem>>
          %dma_start3A_75 = tpu.memref_squeeze %dma_start3A_74 : memref<1x80xi32, #tpu.memory_space<vmem>> -> memref<80xi32, #tpu.memory_space<vmem>>
          %dma_start3A_76 = arith.constant 0 : i32
          %dma_start3A_77 = arith.constant 0 : i32
          %dma_start3A_78 = tpu.memref_slice %arg8[%dma_start3A_76, %dma_start3A_77] : memref<1250x128xf32, #tpu.memory_space<vmem_shared>> -> memref<1250x128xf32, #tpu.memory_space<vmem_shared>>
          tpu.enqueue_indirect_dma source(%dma_start3A_72 : memref<80x128xf32, #tpu.memory_space<vmem>>) target(%dma_start3A_78 : memref<1250x128xf32, #tpu.memory_space<vmem_shared>>) offsets(%dma_start3A_75 : memref<80xi32, #tpu.memory_space<vmem>>) semaphore(%run_scoped3A_68 : memref<!tpu.dma_semaphore, #tpu.memory_space<semaphore_mem>>) {add = true}
          %dma_wait3A_79 = arith.constant 0 : i32
          %dma_wait3A_80 = arith.constant 0 : i32
          %dma_wait3A_81 = tpu.memref_slice %arg7[%run_scoped3A, %dma_wait3A_79, %dma_wait3A_80] : memref<2x80x128xf32, #tpu.memory_space<vmem>> -> memref<1x80x128xf32, #tpu.memory_space<vmem>>
          %dma_wait3A_82 = tpu.memref_squeeze %dma_wait3A_81 : memref<1x80x128xf32, #tpu.memory_space<vmem>> -> memref<80x128xf32, #tpu.memory_space<vmem>>
          %dma_wait3A_83 = arith.constant 0 : i32
          %dma_wait3A_84 = tpu.memref_slice %arg6[%add3A_34, %dma_wait3A_83] : memref<125x80xi32, #tpu.memory_space<vmem>> -> memref<1x80xi32, #tpu.memory_space<vmem>>
          %dma_wait3A_85 = tpu.memref_squeeze %dma_wait3A_84 : memref<1x80xi32, #tpu.memory_space<vmem>> -> memref<80xi32, #tpu.memory_space<vmem>>
          %dma_wait3A_86 = arith.constant 0 : i32
          %dma_wait3A_87 = arith.constant 0 : i32
          %dma_wait3A_88 = tpu.memref_slice %arg8[%dma_wait3A_86, %dma_wait3A_87] : memref<1250x128xf32, #tpu.memory_space<vmem_shared>> -> memref<1250x128xf32, #tpu.memory_space<vmem_shared>>
          tpu.wait_indirect_dma semaphore(%run_scoped3A_68 : memref<!tpu.dma_semaphore, #tpu.memory_space<semaphore_mem>>) src(%dma_wait3A_82 : memref<80x128xf32, #tpu.memory_space<vmem>>) dst(%dma_wait3A_88 : memref<1250x128xf32, #tpu.memory_space<vmem_shared>>)
          tpu.yield
        }) : () -> ()
      } else {
      }
      %add3A_39 = arith.constant 1 : i32
      %add3A_40 = arith.addi %mul3A_32, %add3A_39 : i32
      %lt3A_41 = arith.constant 125 : i32
      %lt3A_42 = arith.cmpi slt, %add3A_40, %lt3A_41 : i32
      %convert_element_type3A_43 = arith.extui %lt3A_42 : i1 to i32
      %cond3A_44 = arith.constant 0 : i32
      %cond3A_45 = arith.cmpi ne, %convert_element_type3A_43, %cond3A_44 : i32
      scf.if %cond3A_45 {
        %add3A_46 = arith.constant 1 : i32
        %add3A_47 = arith.addi %add3A_40, %add3A_46 : i32
        %lt3A_48 = arith.constant 125 : i32
        %lt3A_49 = arith.cmpi slt, %add3A_47, %lt3A_48 : i32
        %convert_element_type3A_50 = arith.extui %lt3A_49 : i1 to i32
        %cond3A_51 = arith.constant 0 : i32
        %cond3A_52 = arith.cmpi ne, %convert_element_type3A_50, %cond3A_51 : i32
        scf.if %cond3A_52 {
          %add3A_68 = arith.constant 1 : i32
          %add3A_69 = arith.addi %add3A_40, %add3A_68 : i32
          %mul3A_70 = arith.constant 80 : i32
          %mul3A_71 = arith.muli %add3A_69, %mul3A_70 : i32
          %add3A_72 = arith.addi %mul3A_4, %mul3A_71 : i32
          %dma_start3A_73 = arith.constant 0 : i32
          %dma_start3A_74 = arith.constant 0 : i32
          %dma_start3A_75 = arith.constant 0 : i32
          %dma_start3A_76 = tpu.memref_slice %arg7[%dma_start3A_73, %dma_start3A_74, %dma_start3A_75] : memref<2x80x128xf32, #tpu.memory_space<vmem>> -> memref<1x80x128xf32, #tpu.memory_space<vmem>>
          %dma_start3A_77 = tpu.memref_squeeze %dma_start3A_76 : memref<1x80x128xf32, #tpu.memory_space<vmem>> -> memref<80x128xf32, #tpu.memory_space<vmem>>
          %dma_start3A_78 = arith.constant 0 : i32
          %dma_start3A_79 = tpu.memref_slice %arg2[%add3A_72, %dma_start3A_78] : memref<320000x128xf32, #tpu.memory_space<hbm>> -> memref<80x128xf32, #tpu.memory_space<hbm>>
          %dma_start3A_80 = arith.constant 0 : i32
          %dma_start3A_81 = arith.constant 0 : i32
          %dma_start3A_82 = tpu.memref_slice %arg7[%dma_start3A_73, %dma_start3A_80, %dma_start3A_81] : memref<2x80x128xf32, #tpu.memory_space<vmem>> -> memref<1x80x128xf32, #tpu.memory_space<vmem>>
          %dma_start3A_83 = tpu.memref_squeeze %dma_start3A_82 : memref<1x80x128xf32, #tpu.memory_space<vmem>> -> memref<80x128xf32, #tpu.memory_space<vmem>>
          %dma_start3A_84 = arith.constant 0 : i32
          %dma_start3A_85 = tpu.memref_slice %arg2[%add3A_72, %dma_start3A_84] : memref<320000x128xf32, #tpu.memory_space<hbm>> -> memref<80x128xf32, #tpu.memory_space<hbm>>
          tpu.enqueue_dma source(%dma_start3A_85 : memref<80x128xf32, #tpu.memory_space<hbm>>) target(%dma_start3A_83 : memref<80x128xf32, #tpu.memory_space<vmem>>) target_semaphore(%arg9 : memref<!tpu.dma_semaphore, #tpu.memory_space<semaphore_mem>>)
        } else {
        }
        %mul3A_53 = arith.constant 80 : i32
        %mul3A_54 = arith.muli %add3A_40, %mul3A_53 : i32
        %add3A_55 = arith.addi %mul3A_4, %mul3A_54 : i32
        %dma_wait3A = arith.constant 1 : i32
        %dma_wait3A_56 = arith.constant 0 : i32
        %dma_wait3A_57 = arith.constant 0 : i32
        %dma_wait3A_58 = tpu.memref_slice %arg7[%dma_wait3A, %dma_wait3A_56, %dma_wait3A_57] : memref<2x80x128xf32, #tpu.memory_space<vmem>> -> memref<1x80x128xf32, #tpu.memory_space<vmem>>
        %dma_wait3A_59 = tpu.memref_squeeze %dma_wait3A_58 : memref<1x80x128xf32, #tpu.memory_space<vmem>> -> memref<80x128xf32, #tpu.memory_space<vmem>>
        %dma_wait3A_60 = arith.constant 0 : i32
        %dma_wait3A_61 = tpu.memref_slice %arg2[%add3A_55, %dma_wait3A_60] : memref<320000x128xf32, #tpu.memory_space<hbm>> -> memref<80x128xf32, #tpu.memory_space<hbm>>
        %dma_wait3A_62 = arith.constant 0 : i32
        %dma_wait3A_63 = arith.constant 0 : i32
        %dma_wait3A_64 = tpu.memref_slice %arg7[%dma_wait3A, %dma_wait3A_62, %dma_wait3A_63] : memref<2x80x128xf32, #tpu.memory_space<vmem>> -> memref<1x80x128xf32, #tpu.memory_space<vmem>>
        %dma_wait3A_65 = tpu.memref_squeeze %dma_wait3A_64 : memref<1x80x128xf32, #tpu.memory_space<vmem>> -> memref<80x128xf32, #tpu.memory_space<vmem>>
        %dma_wait3A_66 = arith.constant 0 : i32
        %dma_wait3A_67 = tpu.memref_slice %arg2[%add3A_55, %dma_wait3A_66] : memref<320000x128xf32, #tpu.memory_space<hbm>> -> memref<80x128xf32, #tpu.memory_space<hbm>>
        tpu.wait_dma2 semaphore(%arg10 : memref<!tpu.dma_semaphore, #tpu.memory_space<semaphore_mem>>) src(%dma_wait3A_67 : memref<80x128xf32, #tpu.memory_space<hbm>>) dst(%dma_wait3A_65 : memref<80x128xf32, #tpu.memory_space<vmem>>)
        %run_scoped3A = arith.constant 1 : i32
        "tpu.region"() ({
          %run_scoped3A_68 = tpu.sem_alloc : memref<!tpu.dma_semaphore, #tpu.memory_space<semaphore_mem>>
          %dma_start3A_69 = arith.constant 0 : i32
          %dma_start3A_70 = arith.constant 0 : i32
          %dma_start3A_71 = tpu.memref_slice %arg7[%run_scoped3A, %dma_start3A_69, %dma_start3A_70] : memref<2x80x128xf32, #tpu.memory_space<vmem>> -> memref<1x80x128xf32, #tpu.memory_space<vmem>>
          %dma_start3A_72 = tpu.memref_squeeze %dma_start3A_71 : memref<1x80x128xf32, #tpu.memory_space<vmem>> -> memref<80x128xf32, #tpu.memory_space<vmem>>
          %dma_start3A_73 = arith.constant 0 : i32
          %dma_start3A_74 = tpu.memref_slice %arg6[%add3A_40, %dma_start3A_73] : memref<125x80xi32, #tpu.memory_space<vmem>> -> memref<1x80xi32, #tpu.memory_space<vmem>>
          %dma_start3A_75 = tpu.memref_squeeze %dma_start3A_74 : memref<1x80xi32, #tpu.memory_space<vmem>> -> memref<80xi32, #tpu.memory_space<vmem>>
          %dma_start3A_76 = arith.constant 0 : i32
          %dma_start3A_77 = arith.constant 0 : i32
          %dma_start3A_78 = tpu.memref_slice %arg8[%dma_start3A_76, %dma_start3A_77] : memref<1250x128xf32, #tpu.memory_space<vmem_shared>> -> memref<1250x128xf32, #tpu.memory_space<vmem_shared>>
          tpu.enqueue_indirect_dma source(%dma_start3A_72 : memref<80x128xf32, #tpu.memory_space<vmem>>) target(%dma_start3A_78 : memref<1250x128xf32, #tpu.memory_space<vmem_shared>>) offsets(%dma_start3A_75 : memref<80xi32, #tpu.memory_space<vmem>>) semaphore(%run_scoped3A_68 : memref<!tpu.dma_semaphore, #tpu.memory_space<semaphore_mem>>) {add = true}
          %dma_wait3A_79 = arith.constant 0 : i32
          %dma_wait3A_80 = arith.constant 0 : i32
          %dma_wait3A_81 = tpu.memref_slice %arg7[%run_scoped3A, %dma_wait3A_79, %dma_wait3A_80] : memref<2x80x128xf32, #tpu.memory_space<vmem>> -> memref<1x80x128xf32, #tpu.memory_space<vmem>>
          %dma_wait3A_82 = tpu.memref_squeeze %dma_wait3A_81 : memref<1x80x128xf32, #tpu.memory_space<vmem>> -> memref<80x128xf32, #tpu.memory_space<vmem>>
          %dma_wait3A_83 = arith.constant 0 : i32
          %dma_wait3A_84 = tpu.memref_slice %arg6[%add3A_40, %dma_wait3A_83] : memref<125x80xi32, #tpu.memory_space<vmem>> -> memref<1x80xi32, #tpu.memory_space<vmem>>
          %dma_wait3A_85 = tpu.memref_squeeze %dma_wait3A_84 : memref<1x80xi32, #tpu.memory_space<vmem>> -> memref<80xi32, #tpu.memory_space<vmem>>
          %dma_wait3A_86 = arith.constant 0 : i32
          %dma_wait3A_87 = arith.constant 0 : i32
          %dma_wait3A_88 = tpu.memref_slice %arg8[%dma_wait3A_86, %dma_wait3A_87] : memref<1250x128xf32, #tpu.memory_space<vmem_shared>> -> memref<1250x128xf32, #tpu.memory_space<vmem_shared>>
          tpu.wait_indirect_dma semaphore(%run_scoped3A_68 : memref<!tpu.dma_semaphore, #tpu.memory_space<semaphore_mem>>) src(%dma_wait3A_82 : memref<80x128xf32, #tpu.memory_space<vmem>>) dst(%dma_wait3A_88 : memref<1250x128xf32, #tpu.memory_space<vmem_shared>>)
          tpu.yield
        }) : () -> ()
      } else {
      }
    }
    %scan3A_23 = arith.constant 63 : i32
    %barrier3A_24 = arith.constant 0 : index
    tpu.barrier barrier_id(%barrier3A_24)
    %eq3A_25 = arith.constant 0 : i32
    %eq3A_26 = arith.cmpi eq, %arg1, %eq3A_25 : i32
    %convert_element_type3A_27 = arith.extui %eq3A_26 : i1 to i32
    %cond3A_28 = arith.constant 0 : i32
    %cond3A_29 = arith.cmpi ne, %convert_element_type3A_27, %cond3A_28 : i32
    scf.if %cond3A_29 {
      "tpu.region"() ({
        %run_scoped3A = tpu.sem_alloc : memref<!tpu.dma_semaphore, #tpu.memory_space<semaphore_mem>>
        %dma_start3A_30 = arith.constant 0 : i32
        %dma_start3A_31 = arith.constant 0 : i32
        %dma_start3A_32 = tpu.memref_slice %arg5[%arg0, %dma_start3A_30, %dma_start3A_31] : memref<2x1250x128xf32, #tpu.memory_space<hbm>> -> memref<1x1250x128xf32, #tpu.memory_space<hbm>>
        %dma_start3A_33 = tpu.memref_squeeze %dma_start3A_32 : memref<1x1250x128xf32, #tpu.memory_space<hbm>> -> memref<1250x128xf32, #tpu.memory_space<hbm>>
        tpu.enqueue_dma source(%arg8 : memref<1250x128xf32, #tpu.memory_space<vmem_shared>>) target(%dma_start3A_33 : memref<1250x128xf32, #tpu.memory_space<hbm>>) target_semaphore(%run_scoped3A : memref<!tpu.dma_semaphore, #tpu.memory_space<semaphore_mem>>)
        %dma_wait3A = arith.constant 0 : i32
        %dma_wait3A_34 = arith.constant 0 : i32
        %dma_wait3A_35 = tpu.memref_slice %arg5[%arg0, %dma_wait3A, %dma_wait3A_34] : memref<2x1250x128xf32, #tpu.memory_space<hbm>> -> memref<1x1250x128xf32, #tpu.memory_space<hbm>>
        %dma_wait3A_36 = tpu.memref_squeeze %dma_wait3A_35 : memref<1x1250x128xf32, #tpu.memory_space<hbm>> -> memref<1250x128xf32, #tpu.memory_space<hbm>>
        tpu.wait_dma2 semaphore(%run_scoped3A : memref<!tpu.dma_semaphore, #tpu.memory_space<semaphore_mem>>) src(%arg8 : memref<1250x128xf32, #tpu.memory_space<vmem_shared>>) dst(%dma_wait3A_36 : memref<1250x128xf32, #tpu.memory_space<hbm>>)
        tpu.yield
      }) : () -> ()
    } else {
    }
    return
  }
}

#map = affine_map<(d0, d1) -> (0, 0)>
#map1 = affine_map<(d0, d1) -> (0, 0, 0)>
module attributes {stable_mosaic.version = 14 : i64} {
  func.func @_sc_gather(%arg0: i32, %arg1: i32, %arg2: memref<10000x128xf32, #tpu.memory_space<hbm>>, %arg3: memref<10000x128xf32, #tpu.memory_space<hbm>>, %arg4: memref<32x125x80xi32, #tpu.memory_space<hbm>>, %arg5: memref<32x125x80xi32, #tpu.memory_space<hbm>>, %arg6: memref<16x2x80xi32, #tpu.memory_space<hbm>>, %arg7: memref<320000x128xf32, #tpu.memory_space<hbm>>, %arg8: memref<125x80xi32, #tpu.memory_space<vmem>>, %arg9: memref<125x80xi32, #tpu.memory_space<vmem>>, %arg10: memref<2x80x128xf32, #tpu.memory_space<vmem>>, %arg11: memref<2x80x128xf32, #tpu.memory_space<vmem>>, %arg12: memref<2x80xi32, #tpu.memory_space<vmem>>, %arg13: memref<2560x128xf32, #tpu.memory_space<vmem_shared>>, %arg14: memref<!tpu.dma_semaphore, #tpu.memory_space<semaphore_mem>>, %arg15: memref<!tpu.dma_semaphore, #tpu.memory_space<semaphore_mem>>, %arg16: memref<!tpu.dma_semaphore, #tpu.memory_space<semaphore_mem>>, %arg17: memref<!tpu.dma_semaphore, #tpu.memory_space<semaphore_mem>>, %arg18: memref<!tpu.dma_semaphore, #tpu.memory_space<semaphore_mem>>, %arg19: memref<!tpu.dma_semaphore, #tpu.memory_space<semaphore_mem>>) attributes {dimension_semantics = [#tpu.dimension_semantics<core_parallel>, #tpu.dimension_semantics<subcore_parallel>], iteration_bounds = array<i64: 2, 16>, scalar_prefetch = 0 : i64, scratch_operands = 12 : i64, tpu.core_type = #tpu.core_type<sc_vector_subcore>, window_params = [{transform_indices = #map}, {transform_indices = #map}, {transform_indices = #map1}, {transform_indices = #map1}, {transform_indices = #map1}, {transform_indices = #map}]} {
    %mul3A = arith.constant 2 : i32
    %mul3A_0 = arith.muli %arg1, %mul3A : i32
    %add3A = arith.addi %mul3A_0, %arg0 : i32
    "tpu.region"() ({
      %run_scoped3A = tpu.sem_alloc : memref<!tpu.dma_semaphore, #tpu.memory_space<semaphore_mem>>
      %dma_start3A_54 = arith.constant 0 : i32
      %dma_start3A_55 = arith.constant 0 : i32
      %dma_start3A_56 = tpu.memref_slice %arg4[%add3A, %dma_start3A_54, %dma_start3A_55] : memref<32x125x80xi32, #tpu.memory_space<hbm>> -> memref<1x125x80xi32, #tpu.memory_space<hbm>>
      %dma_start3A_57 = tpu.memref_squeeze %dma_start3A_56 : memref<1x125x80xi32, #tpu.memory_space<hbm>> -> memref<125x80xi32, #tpu.memory_space<hbm>>
      %dma_start3A_58 = arith.constant 0 : i32
      %dma_start3A_59 = arith.constant 0 : i32
      %dma_start3A_60 = tpu.memref_slice %arg4[%add3A, %dma_start3A_58, %dma_start3A_59] : memref<32x125x80xi32, #tpu.memory_space<hbm>> -> memref<1x125x80xi32, #tpu.memory_space<hbm>>
      %dma_start3A_61 = tpu.memref_squeeze %dma_start3A_60 : memref<1x125x80xi32, #tpu.memory_space<hbm>> -> memref<125x80xi32, #tpu.memory_space<hbm>>
      tpu.enqueue_dma source(%dma_start3A_61 : memref<125x80xi32, #tpu.memory_space<hbm>>) target(%arg8 : memref<125x80xi32, #tpu.memory_space<vmem>>) target_semaphore(%run_scoped3A : memref<!tpu.dma_semaphore, #tpu.memory_space<semaphore_mem>>)
      %dma_wait3A_62 = arith.constant 0 : i32
      %dma_wait3A_63 = arith.constant 0 : i32
      %dma_wait3A_64 = tpu.memref_slice %arg4[%add3A, %dma_wait3A_62, %dma_wait3A_63] : memref<32x125x80xi32, #tpu.memory_space<hbm>> -> memref<1x125x80xi32, #tpu.memory_space<hbm>>
      %dma_wait3A_65 = tpu.memref_squeeze %dma_wait3A_64 : memref<1x125x80xi32, #tpu.memory_space<hbm>> -> memref<125x80xi32, #tpu.memory_space<hbm>>
      %dma_wait3A_66 = arith.constant 0 : i32
      %dma_wait3A_67 = arith.constant 0 : i32
      %dma_wait3A_68 = tpu.memref_slice %arg4[%add3A, %dma_wait3A_66, %dma_wait3A_67] : memref<32x125x80xi32, #tpu.memory_space<hbm>> -> memref<1x125x80xi32, #tpu.memory_space<hbm>>
      %dma_wait3A_69 = tpu.memref_squeeze %dma_wait3A_68 : memref<1x125x80xi32, #tpu.memory_space<hbm>> -> memref<125x80xi32, #tpu.memory_space<hbm>>
      tpu.wait_dma2 semaphore(%run_scoped3A : memref<!tpu.dma_semaphore, #tpu.memory_space<semaphore_mem>>) src(%dma_wait3A_69 : memref<125x80xi32, #tpu.memory_space<hbm>>) dst(%arg8 : memref<125x80xi32, #tpu.memory_space<vmem>>)
      tpu.yield
    }) : () -> ()
    "tpu.region"() ({
      %run_scoped3A = tpu.sem_alloc : memref<!tpu.dma_semaphore, #tpu.memory_space<semaphore_mem>>
      %dma_start3A_54 = arith.constant 0 : i32
      %dma_start3A_55 = arith.constant 0 : i32
      %dma_start3A_56 = tpu.memref_slice %arg5[%add3A, %dma_start3A_54, %dma_start3A_55] : memref<32x125x80xi32, #tpu.memory_space<hbm>> -> memref<1x125x80xi32, #tpu.memory_space<hbm>>
      %dma_start3A_57 = tpu.memref_squeeze %dma_start3A_56 : memref<1x125x80xi32, #tpu.memory_space<hbm>> -> memref<125x80xi32, #tpu.memory_space<hbm>>
      %dma_start3A_58 = arith.constant 0 : i32
      %dma_start3A_59 = arith.constant 0 : i32
      %dma_start3A_60 = tpu.memref_slice %arg5[%add3A, %dma_start3A_58, %dma_start3A_59] : memref<32x125x80xi32, #tpu.memory_space<hbm>> -> memref<1x125x80xi32, #tpu.memory_space<hbm>>
      %dma_start3A_61 = tpu.memref_squeeze %dma_start3A_60 : memref<1x125x80xi32, #tpu.memory_space<hbm>> -> memref<125x80xi32, #tpu.memory_space<hbm>>
      tpu.enqueue_dma source(%dma_start3A_61 : memref<125x80xi32, #tpu.memory_space<hbm>>) target(%arg9 : memref<125x80xi32, #tpu.memory_space<vmem>>) target_semaphore(%run_scoped3A : memref<!tpu.dma_semaphore, #tpu.memory_space<semaphore_mem>>)
      %dma_wait3A_62 = arith.constant 0 : i32
      %dma_wait3A_63 = arith.constant 0 : i32
      %dma_wait3A_64 = tpu.memref_slice %arg5[%add3A, %dma_wait3A_62, %dma_wait3A_63] : memref<32x125x80xi32, #tpu.memory_space<hbm>> -> memref<1x125x80xi32, #tpu.memory_space<hbm>>
      %dma_wait3A_65 = tpu.memref_squeeze %dma_wait3A_64 : memref<1x125x80xi32, #tpu.memory_space<hbm>> -> memref<125x80xi32, #tpu.memory_space<hbm>>
      %dma_wait3A_66 = arith.constant 0 : i32
      %dma_wait3A_67 = arith.constant 0 : i32
      %dma_wait3A_68 = tpu.memref_slice %arg5[%add3A, %dma_wait3A_66, %dma_wait3A_67] : memref<32x125x80xi32, #tpu.memory_space<hbm>> -> memref<1x125x80xi32, #tpu.memory_space<hbm>>
      %dma_wait3A_69 = tpu.memref_squeeze %dma_wait3A_68 : memref<1x125x80xi32, #tpu.memory_space<hbm>> -> memref<125x80xi32, #tpu.memory_space<hbm>>
      tpu.wait_dma2 semaphore(%run_scoped3A : memref<!tpu.dma_semaphore, #tpu.memory_space<semaphore_mem>>) src(%dma_wait3A_69 : memref<125x80xi32, #tpu.memory_space<hbm>>) dst(%arg9 : memref<125x80xi32, #tpu.memory_space<vmem>>)
      tpu.yield
    }) : () -> ()
    "tpu.region"() ({
      %run_scoped3A = tpu.sem_alloc : memref<!tpu.dma_semaphore, #tpu.memory_space<semaphore_mem>>
      %dma_start3A_54 = arith.constant 0 : i32
      %dma_start3A_55 = arith.constant 0 : i32
      %dma_start3A_56 = tpu.memref_slice %arg6[%arg1, %dma_start3A_54, %dma_start3A_55] : memref<16x2x80xi32, #tpu.memory_space<hbm>> -> memref<1x2x80xi32, #tpu.memory_space<hbm>>
      %dma_start3A_57 = tpu.memref_squeeze %dma_start3A_56 : memref<1x2x80xi32, #tpu.memory_space<hbm>> -> memref<2x80xi32, #tpu.memory_space<hbm>>
      %dma_start3A_58 = arith.constant 0 : i32
      %dma_start3A_59 = arith.constant 0 : i32
      %dma_start3A_60 = tpu.memref_slice %arg6[%arg1, %dma_start3A_58, %dma_start3A_59] : memref<16x2x80xi32, #tpu.memory_space<hbm>> -> memref<1x2x80xi32, #tpu.memory_space<hbm>>
      %dma_start3A_61 = tpu.memref_squeeze %dma_start3A_60 : memref<1x2x80xi32, #tpu.memory_space<hbm>> -> memref<2x80xi32, #tpu.memory_space<hbm>>
      tpu.enqueue_dma source(%dma_start3A_61 : memref<2x80xi32, #tpu.memory_space<hbm>>) target(%arg12 : memref<2x80xi32, #tpu.memory_space<vmem>>) target_semaphore(%run_scoped3A : memref<!tpu.dma_semaphore, #tpu.memory_space<semaphore_mem>>)
      %dma_wait3A_62 = arith.constant 0 : i32
      %dma_wait3A_63 = arith.constant 0 : i32
      %dma_wait3A_64 = tpu.memref_slice %arg6[%arg1, %dma_wait3A_62, %dma_wait3A_63] : memref<16x2x80xi32, #tpu.memory_space<hbm>> -> memref<1x2x80xi32, #tpu.memory_space<hbm>>
      %dma_wait3A_65 = tpu.memref_squeeze %dma_wait3A_64 : memref<1x2x80xi32, #tpu.memory_space<hbm>> -> memref<2x80xi32, #tpu.memory_space<hbm>>
      %dma_wait3A_66 = arith.constant 0 : i32
      %dma_wait3A_67 = arith.constant 0 : i32
      %dma_wait3A_68 = tpu.memref_slice %arg6[%arg1, %dma_wait3A_66, %dma_wait3A_67] : memref<16x2x80xi32, #tpu.memory_space<hbm>> -> memref<1x2x80xi32, #tpu.memory_space<hbm>>
      %dma_wait3A_69 = tpu.memref_squeeze %dma_wait3A_68 : memref<1x2x80xi32, #tpu.memory_space<hbm>> -> memref<2x80xi32, #tpu.memory_space<hbm>>
      tpu.wait_dma2 semaphore(%run_scoped3A : memref<!tpu.dma_semaphore, #tpu.memory_space<semaphore_mem>>) src(%dma_wait3A_69 : memref<2x80xi32, #tpu.memory_space<hbm>>) dst(%arg12 : memref<2x80xi32, #tpu.memory_space<vmem>>)
      tpu.yield
    }) : () -> ()
    %mul3A_1 = arith.constant 10000 : i32
    %mul3A_2 = arith.muli %add3A, %mul3A_1 : i32
    %dma_start3A = arith.constant 0 : i32
    %dma_start3A_3 = arith.constant 0 : i32
    %dma_start3A_4 = arith.constant 0 : i32
    %dma_start3A_5 = arith.constant 0 : i32
    %dma_start3A_6 = tpu.memref_slice %arg10[%dma_start3A_3, %dma_start3A_4, %dma_start3A_5] : memref<2x80x128xf32, #tpu.memory_space<vmem>> -> memref<1x80x128xf32, #tpu.memory_space<vmem>>
    %dma_start3A_7 = tpu.memref_squeeze %dma_start3A_6 : memref<1x80x128xf32, #tpu.memory_space<vmem>> -> memref<80x128xf32, #tpu.memory_space<vmem>>
    %dma_start3A_8 = arith.constant 0 : i32
    %dma_start3A_9 = tpu.memref_slice %arg8[%dma_start3A, %dma_start3A_8] : memref<125x80xi32, #tpu.memory_space<vmem>> -> memref<1x80xi32, #tpu.memory_space<vmem>>
    %dma_start3A_10 = tpu.memref_squeeze %dma_start3A_9 : memref<1x80xi32, #tpu.memory_space<vmem>> -> memref<80xi32, #tpu.memory_space<vmem>>
    %dma_start3A_11 = arith.constant 0 : i32
    %dma_start3A_12 = arith.constant 0 : i32
    %dma_start3A_13 = tpu.memref_slice %arg2[%dma_start3A_11, %dma_start3A_12] : memref<10000x128xf32, #tpu.memory_space<hbm>> -> memref<10000x128xf32, #tpu.memory_space<hbm>>
    tpu.enqueue_indirect_dma source(%dma_start3A_13 : memref<10000x128xf32, #tpu.memory_space<hbm>>) target(%dma_start3A_7 : memref<80x128xf32, #tpu.memory_space<vmem>>) offsets(%dma_start3A_10 : memref<80xi32, #tpu.memory_space<vmem>>) semaphore(%arg14 : memref<!tpu.dma_semaphore, #tpu.memory_space<semaphore_mem>>)
    %dma_start3A_14 = arith.constant 0 : i32
    %dma_start3A_15 = arith.constant 0 : i32
    %dma_start3A_16 = arith.constant 0 : i32
    %dma_start3A_17 = arith.constant 0 : i32
    %dma_start3A_18 = tpu.memref_slice %arg11[%dma_start3A_15, %dma_start3A_16, %dma_start3A_17] : memref<2x80x128xf32, #tpu.memory_space<vmem>> -> memref<1x80x128xf32, #tpu.memory_space<vmem>>
    %dma_start3A_19 = tpu.memref_squeeze %dma_start3A_18 : memref<1x80x128xf32, #tpu.memory_space<vmem>> -> memref<80x128xf32, #tpu.memory_space<vmem>>
    %dma_start3A_20 = arith.constant 0 : i32
    %dma_start3A_21 = tpu.memref_slice %arg9[%dma_start3A_14, %dma_start3A_20] : memref<125x80xi32, #tpu.memory_space<vmem>> -> memref<1x80xi32, #tpu.memory_space<vmem>>
    %dma_start3A_22 = tpu.memref_squeeze %dma_start3A_21 : memref<1x80xi32, #tpu.memory_space<vmem>> -> memref<80xi32, #tpu.memory_space<vmem>>
    %dma_start3A_23 = arith.constant 0 : i32
    %dma_start3A_24 = arith.constant 0 : i32
    %dma_start3A_25 = tpu.memref_slice %arg3[%dma_start3A_23, %dma_start3A_24] : memref<10000x128xf32, #tpu.memory_space<hbm>> -> memref<10000x128xf32, #tpu.memory_space<hbm>>
    tpu.enqueue_indirect_dma source(%dma_start3A_25 : memref<10000x128xf32, #tpu.memory_space<hbm>>) target(%dma_start3A_19 : memref<80x128xf32, #tpu.memory_space<vmem>>) offsets(%dma_start3A_22 : memref<80xi32, #tpu.memory_space<vmem>>) semaphore(%arg16 : memref<!tpu.dma_semaphore, #tpu.memory_space<semaphore_mem>>)
    %scan3A = arith.constant 0 : i32
    %scan3A_26 = arith.constant 0 : i32
    %scan3A_27 = arith.constant 63 : i32
    %scan3A_28 = arith.addi %scan3A_26, %scan3A_27 : i32
    %scan3A_29 = arith.constant 1 : i32
    scf.for %scan3A_54 = %scan3A_26 to %scan3A_28 step %scan3A_29  : i32 {
      %mul3A_55 = arith.constant 2 : i32
      %mul3A_56 = arith.muli %scan3A_54, %mul3A_55 : i32
      %add3A_57 = arith.constant 0 : i32
      %add3A_58 = arith.addi %mul3A_56, %add3A_57 : i32
      %lt3A = arith.constant 125 : i32
      %lt3A_59 = arith.cmpi slt, %add3A_58, %lt3A : i32
      %convert_element_type3A = arith.extui %lt3A_59 : i1 to i32
      %cond3A = arith.constant 0 : i32
      %cond3A_60 = arith.cmpi ne, %convert_element_type3A, %cond3A : i32
      scf.if %cond3A_60 {
        %add3A_68 = arith.constant 1 : i32
        %add3A_69 = arith.addi %add3A_58, %add3A_68 : i32
        %lt3A_70 = arith.constant 125 : i32
        %lt3A_71 = arith.cmpi slt, %add3A_69, %lt3A_70 : i32
        %convert_element_type3A_72 = arith.extui %lt3A_71 : i1 to i32
        %cond3A_73 = arith.constant 0 : i32
        %cond3A_74 = arith.cmpi ne, %convert_element_type3A_72, %cond3A_73 : i32
        scf.if %cond3A_74 {
          %add3A_122 = arith.constant 1 : i32
          %add3A_123 = arith.addi %add3A_58, %add3A_122 : i32
          %dma_start3A_124 = arith.constant 1 : i32
          %dma_start3A_125 = arith.constant 0 : i32
          %dma_start3A_126 = arith.constant 0 : i32
          %dma_start3A_127 = tpu.memref_slice %arg10[%dma_start3A_124, %dma_start3A_125, %dma_start3A_126] : memref<2x80x128xf32, #tpu.memory_space<vmem>> -> memref<1x80x128xf32, #tpu.memory_space<vmem>>
          %dma_start3A_128 = tpu.memref_squeeze %dma_start3A_127 : memref<1x80x128xf32, #tpu.memory_space<vmem>> -> memref<80x128xf32, #tpu.memory_space<vmem>>
          %dma_start3A_129 = arith.constant 0 : i32
          %dma_start3A_130 = tpu.memref_slice %arg8[%add3A_123, %dma_start3A_129] : memref<125x80xi32, #tpu.memory_space<vmem>> -> memref<1x80xi32, #tpu.memory_space<vmem>>
          %dma_start3A_131 = tpu.memref_squeeze %dma_start3A_130 : memref<1x80xi32, #tpu.memory_space<vmem>> -> memref<80xi32, #tpu.memory_space<vmem>>
          %dma_start3A_132 = arith.constant 0 : i32
          %dma_start3A_133 = arith.constant 0 : i32
          %dma_start3A_134 = tpu.memref_slice %arg2[%dma_start3A_132, %dma_start3A_133] : memref<10000x128xf32, #tpu.memory_space<hbm>> -> memref<10000x128xf32, #tpu.memory_space<hbm>>
          tpu.enqueue_indirect_dma source(%dma_start3A_134 : memref<10000x128xf32, #tpu.memory_space<hbm>>) target(%dma_start3A_128 : memref<80x128xf32, #tpu.memory_space<vmem>>) offsets(%dma_start3A_131 : memref<80xi32, #tpu.memory_space<vmem>>) semaphore(%arg15 : memref<!tpu.dma_semaphore, #tpu.memory_space<semaphore_mem>>)
          %dma_start3A_135 = arith.constant 1 : i32
          %dma_start3A_136 = arith.constant 0 : i32
          %dma_start3A_137 = arith.constant 0 : i32
          %dma_start3A_138 = tpu.memref_slice %arg11[%dma_start3A_135, %dma_start3A_136, %dma_start3A_137] : memref<2x80x128xf32, #tpu.memory_space<vmem>> -> memref<1x80x128xf32, #tpu.memory_space<vmem>>
          %dma_start3A_139 = tpu.memref_squeeze %dma_start3A_138 : memref<1x80x128xf32, #tpu.memory_space<vmem>> -> memref<80x128xf32, #tpu.memory_space<vmem>>
          %dma_start3A_140 = arith.constant 0 : i32
          %dma_start3A_141 = tpu.memref_slice %arg9[%add3A_123, %dma_start3A_140] : memref<125x80xi32, #tpu.memory_space<vmem>> -> memref<1x80xi32, #tpu.memory_space<vmem>>
          %dma_start3A_142 = tpu.memref_squeeze %dma_start3A_141 : memref<1x80xi32, #tpu.memory_space<vmem>> -> memref<80xi32, #tpu.memory_space<vmem>>
          %dma_start3A_143 = arith.constant 0 : i32
          %dma_start3A_144 = arith.constant 0 : i32
          %dma_start3A_145 = tpu.memref_slice %arg3[%dma_start3A_143, %dma_start3A_144] : memref<10000x128xf32, #tpu.memory_space<hbm>> -> memref<10000x128xf32, #tpu.memory_space<hbm>>
          tpu.enqueue_indirect_dma source(%dma_start3A_145 : memref<10000x128xf32, #tpu.memory_space<hbm>>) target(%dma_start3A_139 : memref<80x128xf32, #tpu.memory_space<vmem>>) offsets(%dma_start3A_142 : memref<80xi32, #tpu.memory_space<vmem>>) semaphore(%arg17 : memref<!tpu.dma_semaphore, #tpu.memory_space<semaphore_mem>>)
        } else {
        }
        %dma_wait3A_75 = arith.constant 0 : i32
        %dma_wait3A_76 = arith.constant 0 : i32
        %dma_wait3A_77 = arith.constant 0 : i32
        %dma_wait3A_78 = tpu.memref_slice %arg10[%dma_wait3A_75, %dma_wait3A_76, %dma_wait3A_77] : memref<2x80x128xf32, #tpu.memory_space<vmem>> -> memref<1x80x128xf32, #tpu.memory_space<vmem>>
        %dma_wait3A_79 = tpu.memref_squeeze %dma_wait3A_78 : memref<1x80x128xf32, #tpu.memory_space<vmem>> -> memref<80x128xf32, #tpu.memory_space<vmem>>
        %dma_wait3A_80 = arith.constant 0 : i32
        %dma_wait3A_81 = tpu.memref_slice %arg8[%add3A_58, %dma_wait3A_80] : memref<125x80xi32, #tpu.memory_space<vmem>> -> memref<1x80xi32, #tpu.memory_space<vmem>>
        %dma_wait3A_82 = tpu.memref_squeeze %dma_wait3A_81 : memref<1x80xi32, #tpu.memory_space<vmem>> -> memref<80xi32, #tpu.memory_space<vmem>>
        %dma_wait3A_83 = arith.constant 0 : i32
        %dma_wait3A_84 = arith.constant 0 : i32
        %dma_wait3A_85 = tpu.memref_slice %arg2[%dma_wait3A_83, %dma_wait3A_84] : memref<10000x128xf32, #tpu.memory_space<hbm>> -> memref<10000x128xf32, #tpu.memory_space<hbm>>
        tpu.wait_indirect_dma semaphore(%arg14 : memref<!tpu.dma_semaphore, #tpu.memory_space<semaphore_mem>>) src(%dma_wait3A_85 : memref<10000x128xf32, #tpu.memory_space<hbm>>) dst(%dma_wait3A_79 : memref<80x128xf32, #tpu.memory_space<vmem>>)
        %dma_wait3A_86 = arith.constant 0 : i32
        %dma_wait3A_87 = arith.constant 0 : i32
        %dma_wait3A_88 = arith.constant 0 : i32
        %dma_wait3A_89 = tpu.memref_slice %arg11[%dma_wait3A_86, %dma_wait3A_87, %dma_wait3A_88] : memref<2x80x128xf32, #tpu.memory_space<vmem>> -> memref<1x80x128xf32, #tpu.memory_space<vmem>>
        %dma_wait3A_90 = tpu.memref_squeeze %dma_wait3A_89 : memref<1x80x128xf32, #tpu.memory_space<vmem>> -> memref<80x128xf32, #tpu.memory_space<vmem>>
        %dma_wait3A_91 = arith.constant 0 : i32
        %dma_wait3A_92 = tpu.memref_slice %arg9[%add3A_58, %dma_wait3A_91] : memref<125x80xi32, #tpu.memory_space<vmem>> -> memref<1x80xi32, #tpu.memory_space<vmem>>
        %dma_wait3A_93 = tpu.memref_squeeze %dma_wait3A_92 : memref<1x80xi32, #tpu.memory_space<vmem>> -> memref<80xi32, #tpu.memory_space<vmem>>
        %dma_wait3A_94 = arith.constant 0 : i32
        %dma_wait3A_95 = arith.constant 0 : i32
        %dma_wait3A_96 = tpu.memref_slice %arg3[%dma_wait3A_94, %dma_wait3A_95] : memref<10000x128xf32, #tpu.memory_space<hbm>> -> memref<10000x128xf32, #tpu.memory_space<hbm>>
        tpu.wait_indirect_dma semaphore(%arg16 : memref<!tpu.dma_semaphore, #tpu.memory_space<semaphore_mem>>) src(%dma_wait3A_96 : memref<10000x128xf32, #tpu.memory_space<hbm>>) dst(%dma_wait3A_90 : memref<80x128xf32, #tpu.memory_space<vmem>>)
        %ge3A = arith.constant 2 : i32
        %ge3A_97 = arith.cmpi sge, %add3A_58, %ge3A : i32
        %convert_element_type3A_98 = arith.extui %ge3A_97 : i1 to i32
        %cond3A_99 = arith.constant 0 : i32
        %cond3A_100 = arith.cmpi ne, %convert_element_type3A_98, %cond3A_99 : i32
        scf.if %cond3A_100 {
          %mul3A_122 = arith.constant 2 : i32
          %mul3A_123 = arith.muli %arg1, %mul3A_122 : i32
          %add3A_124 = arith.constant 0 : i32
          %add3A_125 = arith.addi %mul3A_123, %add3A_124 : i32
          %mul3A_126 = arith.constant 80 : i32
          %mul3A_127 = arith.muli %add3A_125, %mul3A_126 : i32
          %sub3A = arith.constant 2 : i32
          %sub3A_128 = arith.subi %add3A_58, %sub3A : i32
          %mul3A_129 = arith.constant 80 : i32
          %mul3A_130 = arith.muli %sub3A_128, %mul3A_129 : i32
          %add3A_131 = arith.addi %mul3A_2, %mul3A_130 : i32
          %dma_wait3A_132 = arith.constant 0 : i32
          %dma_wait3A_133 = tpu.memref_slice %arg7[%add3A_131, %dma_wait3A_132] : memref<320000x128xf32, #tpu.memory_space<hbm>> -> memref<80x128xf32, #tpu.memory_space<hbm>>
          %dma_wait3A_134 = arith.constant 0 : i32
          %dma_wait3A_135 = tpu.memref_slice %arg13[%mul3A_127, %dma_wait3A_134] : memref<2560x128xf32, #tpu.memory_space<vmem_shared>> -> memref<80x128xf32, #tpu.memory_space<vmem_shared>>
          tpu.wait_dma2 semaphore(%arg18 : memref<!tpu.dma_semaphore, #tpu.memory_space<semaphore_mem>>) src(%dma_wait3A_135 : memref<80x128xf32, #tpu.memory_space<vmem_shared>>) dst(%dma_wait3A_133 : memref<80x128xf32, #tpu.memory_space<hbm>>)
        } else {
        }
        %mul3A_101 = arith.constant 2 : i32
        %mul3A_102 = arith.muli %arg1, %mul3A_101 : i32
        %add3A_103 = arith.constant 0 : i32
        %add3A_104 = arith.addi %mul3A_102, %add3A_103 : i32
        %mul3A_105 = arith.constant 80 : i32
        %mul3A_106 = arith.muli %add3A_104, %mul3A_105 : i32
        %run_scoped3A = arith.constant 0 : i32
        "tpu.region"() ({
          %run_scoped3A_122 = tpu.sem_alloc : memref<!tpu.dma_semaphore, #tpu.memory_space<semaphore_mem>>
          %dma_start3A_123 = arith.constant 0 : i32
          %dma_start3A_124 = arith.constant 0 : i32
          %dma_start3A_125 = tpu.memref_slice %arg10[%run_scoped3A, %dma_start3A_123, %dma_start3A_124] : memref<2x80x128xf32, #tpu.memory_space<vmem>> -> memref<1x80x128xf32, #tpu.memory_space<vmem>>
          %dma_start3A_126 = tpu.memref_squeeze %dma_start3A_125 : memref<1x80x128xf32, #tpu.memory_space<vmem>> -> memref<80x128xf32, #tpu.memory_space<vmem>>
          %dma_start3A_127 = arith.constant 0 : i32
          %dma_start3A_128 = tpu.memref_slice %arg13[%mul3A_106, %dma_start3A_127] : memref<2560x128xf32, #tpu.memory_space<vmem_shared>> -> memref<80x128xf32, #tpu.memory_space<vmem_shared>>
          %dma_start3A_129 = arith.constant 0 : i32
          %dma_start3A_130 = tpu.memref_slice %arg13[%mul3A_106, %dma_start3A_129] : memref<2560x128xf32, #tpu.memory_space<vmem_shared>> -> memref<80x128xf32, #tpu.memory_space<vmem_shared>>
          %dma_start3A_131 = arith.constant 0 : i32
          %dma_start3A_132 = arith.constant 0 : i32
          %dma_start3A_133 = tpu.memref_slice %arg10[%run_scoped3A, %dma_start3A_131, %dma_start3A_132] : memref<2x80x128xf32, #tpu.memory_space<vmem>> -> memref<1x80x128xf32, #tpu.memory_space<vmem>>
          %dma_start3A_134 = tpu.memref_squeeze %dma_start3A_133 : memref<1x80x128xf32, #tpu.memory_space<vmem>> -> memref<80x128xf32, #tpu.memory_space<vmem>>
          tpu.enqueue_dma source(%dma_start3A_134 : memref<80x128xf32, #tpu.memory_space<vmem>>) target(%dma_start3A_130 : memref<80x128xf32, #tpu.memory_space<vmem_shared>>) target_semaphore(%run_scoped3A_122 : memref<!tpu.dma_semaphore, #tpu.memory_space<semaphore_mem>>)
          %dma_wait3A_135 = arith.constant 0 : i32
          %dma_wait3A_136 = arith.constant 0 : i32
          %dma_wait3A_137 = tpu.memref_slice %arg10[%run_scoped3A, %dma_wait3A_135, %dma_wait3A_136] : memref<2x80x128xf32, #tpu.memory_space<vmem>> -> memref<1x80x128xf32, #tpu.memory_space<vmem>>
          %dma_wait3A_138 = tpu.memref_squeeze %dma_wait3A_137 : memref<1x80x128xf32, #tpu.memory_space<vmem>> -> memref<80x128xf32, #tpu.memory_space<vmem>>
          %dma_wait3A_139 = arith.constant 0 : i32
          %dma_wait3A_140 = tpu.memref_slice %arg13[%mul3A_106, %dma_wait3A_139] : memref<2560x128xf32, #tpu.memory_space<vmem_shared>> -> memref<80x128xf32, #tpu.memory_space<vmem_shared>>
          %dma_wait3A_141 = arith.constant 0 : i32
          %dma_wait3A_142 = tpu.memref_slice %arg13[%mul3A_106, %dma_wait3A_141] : memref<2560x128xf32, #tpu.memory_space<vmem_shared>> -> memref<80x128xf32, #tpu.memory_space<vmem_shared>>
          %dma_wait3A_143 = arith.constant 0 : i32
          %dma_wait3A_144 = arith.constant 0 : i32
          %dma_wait3A_145 = tpu.memref_slice %arg10[%run_scoped3A, %dma_wait3A_143, %dma_wait3A_144] : memref<2x80x128xf32, #tpu.memory_space<vmem>> -> memref<1x80x128xf32, #tpu.memory_space<vmem>>
          %dma_wait3A_146 = tpu.memref_squeeze %dma_wait3A_145 : memref<1x80x128xf32, #tpu.memory_space<vmem>> -> memref<80x128xf32, #tpu.memory_space<vmem>>
          tpu.wait_dma2 semaphore(%run_scoped3A_122 : memref<!tpu.dma_semaphore, #tpu.memory_space<semaphore_mem>>) src(%dma_wait3A_146 : memref<80x128xf32, #tpu.memory_space<vmem>>) dst(%dma_wait3A_142 : memref<80x128xf32, #tpu.memory_space<vmem_shared>>)
          tpu.yield
        }) : () -> ()
        %run_scoped3A_107 = arith.constant 0 : i32
        %run_scoped3A_108 = arith.constant 0 : i32
        "tpu.region"() ({
          %run_scoped3A_122 = tpu.sem_alloc : memref<!tpu.dma_semaphore, #tpu.memory_space<semaphore_mem>>
          %dma_start3A_123 = arith.constant 0 : i32
          %dma_start3A_124 = arith.constant 0 : i32
          %dma_start3A_125 = tpu.memref_slice %arg11[%run_scoped3A_107, %dma_start3A_123, %dma_start3A_124] : memref<2x80x128xf32, #tpu.memory_space<vmem>> -> memref<1x80x128xf32, #tpu.memory_space<vmem>>
          %dma_start3A_126 = tpu.memref_squeeze %dma_start3A_125 : memref<1x80x128xf32, #tpu.memory_space<vmem>> -> memref<80x128xf32, #tpu.memory_space<vmem>>
          %dma_start3A_127 = arith.constant 0 : i32
          %dma_start3A_128 = tpu.memref_slice %arg12[%run_scoped3A_108, %dma_start3A_127] : memref<2x80xi32, #tpu.memory_space<vmem>> -> memref<1x80xi32, #tpu.memory_space<vmem>>
          %dma_start3A_129 = tpu.memref_squeeze %dma_start3A_128 : memref<1x80xi32, #tpu.memory_space<vmem>> -> memref<80xi32, #tpu.memory_space<vmem>>
          %dma_start3A_130 = arith.constant 0 : i32
          %dma_start3A_131 = arith.constant 0 : i32
          %dma_start3A_132 = tpu.memref_slice %arg13[%dma_start3A_130, %dma_start3A_131] : memref<2560x128xf32, #tpu.memory_space<vmem_shared>> -> memref<2560x128xf32, #tpu.memory_space<vmem_shared>>
          tpu.enqueue_indirect_dma source(%dma_start3A_126 : memref<80x128xf32, #tpu.memory_space<vmem>>) target(%dma_start3A_132 : memref<2560x128xf32, #tpu.memory_space<vmem_shared>>) offsets(%dma_start3A_129 : memref<80xi32, #tpu.memory_space<vmem>>) semaphore(%run_scoped3A_122 : memref<!tpu.dma_semaphore, #tpu.memory_space<semaphore_mem>>) {add = true}
          %dma_wait3A_133 = arith.constant 0 : i32
          %dma_wait3A_134 = arith.constant 0 : i32
          %dma_wait3A_135 = tpu.memref_slice %arg11[%run_scoped3A_107, %dma_wait3A_133, %dma_wait3A_134] : memref<2x80x128xf32, #tpu.memory_space<vmem>> -> memref<1x80x128xf32, #tpu.memory_space<vmem>>
          %dma_wait3A_136 = tpu.memref_squeeze %dma_wait3A_135 : memref<1x80x128xf32, #tpu.memory_space<vmem>> -> memref<80x128xf32, #tpu.memory_space<vmem>>
          %dma_wait3A_137 = arith.constant 0 : i32
          %dma_wait3A_138 = tpu.memref_slice %arg12[%run_scoped3A_108, %dma_wait3A_137] : memref<2x80xi32, #tpu.memory_space<vmem>> -> memref<1x80xi32, #tpu.memory_space<vmem>>
          %dma_wait3A_139 = tpu.memref_squeeze %dma_wait3A_138 : memref<1x80xi32, #tpu.memory_space<vmem>> -> memref<80xi32, #tpu.memory_space<vmem>>
          %dma_wait3A_140 = arith.constant 0 : i32
          %dma_wait3A_141 = arith.constant 0 : i32
          %dma_wait3A_142 = tpu.memref_slice %arg13[%dma_wait3A_140, %dma_wait3A_141] : memref<2560x128xf32, #tpu.memory_space<vmem_shared>> -> memref<2560x128xf32, #tpu.memory_space<vmem_shared>>
          tpu.wait_indirect_dma semaphore(%run_scoped3A_122 : memref<!tpu.dma_semaphore, #tpu.memory_space<semaphore_mem>>) src(%dma_wait3A_136 : memref<80x128xf32, #tpu.memory_space<vmem>>) dst(%dma_wait3A_142 : memref<2560x128xf32, #tpu.memory_space<vmem_shared>>)
          tpu.yield
        }) : () -> ()
        %mul3A_109 = arith.constant 2 : i32
        %mul3A_110 = arith.muli %arg1, %mul3A_109 : i32
        %add3A_111 = arith.constant 0 : i32
        %add3A_112 = arith.addi %mul3A_110, %add3A_111 : i32
        %mul3A_113 = arith.constant 80 : i32
        %mul3A_114 = arith.muli %add3A_112, %mul3A_113 : i32
        %mul3A_115 = arith.constant 80 : i32
        %mul3A_116 = arith.muli %add3A_58, %mul3A_115 : i32
        %add3A_117 = arith.addi %mul3A_2, %mul3A_116 : i32
        %dma_start3A_118 = arith.constant 0 : i32
        %dma_start3A_119 = tpu.memref_slice %arg7[%add3A_117, %dma_start3A_118] : memref<320000x128xf32, #tpu.memory_space<hbm>> -> memref<80x128xf32, #tpu.memory_space<hbm>>
        %dma_start3A_120 = arith.constant 0 : i32
        %dma_start3A_121 = tpu.memref_slice %arg13[%mul3A_114, %dma_start3A_120] : memref<2560x128xf32, #tpu.memory_space<vmem_shared>> -> memref<80x128xf32, #tpu.memory_space<vmem_shared>>
        tpu.enqueue_dma source(%dma_start3A_121 : memref<80x128xf32, #tpu.memory_space<vmem_shared>>) target(%dma_start3A_119 : memref<80x128xf32, #tpu.memory_space<hbm>>) target_semaphore(%arg18 : memref<!tpu.dma_semaphore, #tpu.memory_space<semaphore_mem>>)
      } else {
      }
      %add3A_61 = arith.constant 1 : i32
      %add3A_62 = arith.addi %mul3A_56, %add3A_61 : i32
      %lt3A_63 = arith.constant 125 : i32
      %lt3A_64 = arith.cmpi slt, %add3A_62, %lt3A_63 : i32
      %convert_element_type3A_65 = arith.extui %lt3A_64 : i1 to i32
      %cond3A_66 = arith.constant 0 : i32
      %cond3A_67 = arith.cmpi ne, %convert_element_type3A_65, %cond3A_66 : i32
      scf.if %cond3A_67 {
        %add3A_68 = arith.constant 1 : i32
        %add3A_69 = arith.addi %add3A_62, %add3A_68 : i32
        %lt3A_70 = arith.constant 125 : i32
        %lt3A_71 = arith.cmpi slt, %add3A_69, %lt3A_70 : i32
        %convert_element_type3A_72 = arith.extui %lt3A_71 : i1 to i32
        %cond3A_73 = arith.constant 0 : i32
        %cond3A_74 = arith.cmpi ne, %convert_element_type3A_72, %cond3A_73 : i32
        scf.if %cond3A_74 {
          %add3A_122 = arith.constant 1 : i32
          %add3A_123 = arith.addi %add3A_62, %add3A_122 : i32
          %dma_start3A_124 = arith.constant 0 : i32
          %dma_start3A_125 = arith.constant 0 : i32
          %dma_start3A_126 = arith.constant 0 : i32
          %dma_start3A_127 = tpu.memref_slice %arg10[%dma_start3A_124, %dma_start3A_125, %dma_start3A_126] : memref<2x80x128xf32, #tpu.memory_space<vmem>> -> memref<1x80x128xf32, #tpu.memory_space<vmem>>
          %dma_start3A_128 = tpu.memref_squeeze %dma_start3A_127 : memref<1x80x128xf32, #tpu.memory_space<vmem>> -> memref<80x128xf32, #tpu.memory_space<vmem>>
          %dma_start3A_129 = arith.constant 0 : i32
          %dma_start3A_130 = tpu.memref_slice %arg8[%add3A_123, %dma_start3A_129] : memref<125x80xi32, #tpu.memory_space<vmem>> -> memref<1x80xi32, #tpu.memory_space<vmem>>
          %dma_start3A_131 = tpu.memref_squeeze %dma_start3A_130 : memref<1x80xi32, #tpu.memory_space<vmem>> -> memref<80xi32, #tpu.memory_space<vmem>>
          %dma_start3A_132 = arith.constant 0 : i32
          %dma_start3A_133 = arith.constant 0 : i32
          %dma_start3A_134 = tpu.memref_slice %arg2[%dma_start3A_132, %dma_start3A_133] : memref<10000x128xf32, #tpu.memory_space<hbm>> -> memref<10000x128xf32, #tpu.memory_space<hbm>>
          tpu.enqueue_indirect_dma source(%dma_start3A_134 : memref<10000x128xf32, #tpu.memory_space<hbm>>) target(%dma_start3A_128 : memref<80x128xf32, #tpu.memory_space<vmem>>) offsets(%dma_start3A_131 : memref<80xi32, #tpu.memory_space<vmem>>) semaphore(%arg14 : memref<!tpu.dma_semaphore, #tpu.memory_space<semaphore_mem>>)
          %dma_start3A_135 = arith.constant 0 : i32
          %dma_start3A_136 = arith.constant 0 : i32
          %dma_start3A_137 = arith.constant 0 : i32
          %dma_start3A_138 = tpu.memref_slice %arg11[%dma_start3A_135, %dma_start3A_136, %dma_start3A_137] : memref<2x80x128xf32, #tpu.memory_space<vmem>> -> memref<1x80x128xf32, #tpu.memory_space<vmem>>
          %dma_start3A_139 = tpu.memref_squeeze %dma_start3A_138 : memref<1x80x128xf32, #tpu.memory_space<vmem>> -> memref<80x128xf32, #tpu.memory_space<vmem>>
          %dma_start3A_140 = arith.constant 0 : i32
          %dma_start3A_141 = tpu.memref_slice %arg9[%add3A_123, %dma_start3A_140] : memref<125x80xi32, #tpu.memory_space<vmem>> -> memref<1x80xi32, #tpu.memory_space<vmem>>
          %dma_start3A_142 = tpu.memref_squeeze %dma_start3A_141 : memref<1x80xi32, #tpu.memory_space<vmem>> -> memref<80xi32, #tpu.memory_space<vmem>>
          %dma_start3A_143 = arith.constant 0 : i32
          %dma_start3A_144 = arith.constant 0 : i32
          %dma_start3A_145 = tpu.memref_slice %arg3[%dma_start3A_143, %dma_start3A_144] : memref<10000x128xf32, #tpu.memory_space<hbm>> -> memref<10000x128xf32, #tpu.memory_space<hbm>>
          tpu.enqueue_indirect_dma source(%dma_start3A_145 : memref<10000x128xf32, #tpu.memory_space<hbm>>) target(%dma_start3A_139 : memref<80x128xf32, #tpu.memory_space<vmem>>) offsets(%dma_start3A_142 : memref<80xi32, #tpu.memory_space<vmem>>) semaphore(%arg16 : memref<!tpu.dma_semaphore, #tpu.memory_space<semaphore_mem>>)
        } else {
        }
        %dma_wait3A_75 = arith.constant 1 : i32
        %dma_wait3A_76 = arith.constant 0 : i32
        %dma_wait3A_77 = arith.constant 0 : i32
        %dma_wait3A_78 = tpu.memref_slice %arg10[%dma_wait3A_75, %dma_wait3A_76, %dma_wait3A_77] : memref<2x80x128xf32, #tpu.memory_space<vmem>> -> memref<1x80x128xf32, #tpu.memory_space<vmem>>
        %dma_wait3A_79 = tpu.memref_squeeze %dma_wait3A_78 : memref<1x80x128xf32, #tpu.memory_space<vmem>> -> memref<80x128xf32, #tpu.memory_space<vmem>>
        %dma_wait3A_80 = arith.constant 0 : i32
        %dma_wait3A_81 = tpu.memref_slice %arg8[%add3A_62, %dma_wait3A_80] : memref<125x80xi32, #tpu.memory_space<vmem>> -> memref<1x80xi32, #tpu.memory_space<vmem>>
        %dma_wait3A_82 = tpu.memref_squeeze %dma_wait3A_81 : memref<1x80xi32, #tpu.memory_space<vmem>> -> memref<80xi32, #tpu.memory_space<vmem>>
        %dma_wait3A_83 = arith.constant 0 : i32
        %dma_wait3A_84 = arith.constant 0 : i32
        %dma_wait3A_85 = tpu.memref_slice %arg2[%dma_wait3A_83, %dma_wait3A_84] : memref<10000x128xf32, #tpu.memory_space<hbm>> -> memref<10000x128xf32, #tpu.memory_space<hbm>>
        tpu.wait_indirect_dma semaphore(%arg15 : memref<!tpu.dma_semaphore, #tpu.memory_space<semaphore_mem>>) src(%dma_wait3A_85 : memref<10000x128xf32, #tpu.memory_space<hbm>>) dst(%dma_wait3A_79 : memref<80x128xf32, #tpu.memory_space<vmem>>)
        %dma_wait3A_86 = arith.constant 1 : i32
        %dma_wait3A_87 = arith.constant 0 : i32
        %dma_wait3A_88 = arith.constant 0 : i32
        %dma_wait3A_89 = tpu.memref_slice %arg11[%dma_wait3A_86, %dma_wait3A_87, %dma_wait3A_88] : memref<2x80x128xf32, #tpu.memory_space<vmem>> -> memref<1x80x128xf32, #tpu.memory_space<vmem>>
        %dma_wait3A_90 = tpu.memref_squeeze %dma_wait3A_89 : memref<1x80x128xf32, #tpu.memory_space<vmem>> -> memref<80x128xf32, #tpu.memory_space<vmem>>
        %dma_wait3A_91 = arith.constant 0 : i32
        %dma_wait3A_92 = tpu.memref_slice %arg9[%add3A_62, %dma_wait3A_91] : memref<125x80xi32, #tpu.memory_space<vmem>> -> memref<1x80xi32, #tpu.memory_space<vmem>>
        %dma_wait3A_93 = tpu.memref_squeeze %dma_wait3A_92 : memref<1x80xi32, #tpu.memory_space<vmem>> -> memref<80xi32, #tpu.memory_space<vmem>>
        %dma_wait3A_94 = arith.constant 0 : i32
        %dma_wait3A_95 = arith.constant 0 : i32
        %dma_wait3A_96 = tpu.memref_slice %arg3[%dma_wait3A_94, %dma_wait3A_95] : memref<10000x128xf32, #tpu.memory_space<hbm>> -> memref<10000x128xf32, #tpu.memory_space<hbm>>
        tpu.wait_indirect_dma semaphore(%arg17 : memref<!tpu.dma_semaphore, #tpu.memory_space<semaphore_mem>>) src(%dma_wait3A_96 : memref<10000x128xf32, #tpu.memory_space<hbm>>) dst(%dma_wait3A_90 : memref<80x128xf32, #tpu.memory_space<vmem>>)
        %ge3A = arith.constant 2 : i32
        %ge3A_97 = arith.cmpi sge, %add3A_62, %ge3A : i32
        %convert_element_type3A_98 = arith.extui %ge3A_97 : i1 to i32
        %cond3A_99 = arith.constant 0 : i32
        %cond3A_100 = arith.cmpi ne, %convert_element_type3A_98, %cond3A_99 : i32
        scf.if %cond3A_100 {
          %mul3A_122 = arith.constant 2 : i32
          %mul3A_123 = arith.muli %arg1, %mul3A_122 : i32
          %add3A_124 = arith.constant 1 : i32
          %add3A_125 = arith.addi %mul3A_123, %add3A_124 : i32
          %mul3A_126 = arith.constant 80 : i32
          %mul3A_127 = arith.muli %add3A_125, %mul3A_126 : i32
          %sub3A = arith.constant 2 : i32
          %sub3A_128 = arith.subi %add3A_62, %sub3A : i32
          %mul3A_129 = arith.constant 80 : i32
          %mul3A_130 = arith.muli %sub3A_128, %mul3A_129 : i32
          %add3A_131 = arith.addi %mul3A_2, %mul3A_130 : i32
          %dma_wait3A_132 = arith.constant 0 : i32
          %dma_wait3A_133 = tpu.memref_slice %arg7[%add3A_131, %dma_wait3A_132] : memref<320000x128xf32, #tpu.memory_space<hbm>> -> memref<80x128xf32, #tpu.memory_space<hbm>>
          %dma_wait3A_134 = arith.constant 0 : i32
          %dma_wait3A_135 = tpu.memref_slice %arg13[%mul3A_127, %dma_wait3A_134] : memref<2560x128xf32, #tpu.memory_space<vmem_shared>> -> memref<80x128xf32, #tpu.memory_space<vmem_shared>>
          tpu.wait_dma2 semaphore(%arg19 : memref<!tpu.dma_semaphore, #tpu.memory_space<semaphore_mem>>) src(%dma_wait3A_135 : memref<80x128xf32, #tpu.memory_space<vmem_shared>>) dst(%dma_wait3A_133 : memref<80x128xf32, #tpu.memory_space<hbm>>)
        } else {
        }
        %mul3A_101 = arith.constant 2 : i32
        %mul3A_102 = arith.muli %arg1, %mul3A_101 : i32
        %add3A_103 = arith.constant 1 : i32
        %add3A_104 = arith.addi %mul3A_102, %add3A_103 : i32
        %mul3A_105 = arith.constant 80 : i32
        %mul3A_106 = arith.muli %add3A_104, %mul3A_105 : i32
        %run_scoped3A = arith.constant 1 : i32
        "tpu.region"() ({
          %run_scoped3A_122 = tpu.sem_alloc : memref<!tpu.dma_semaphore, #tpu.memory_space<semaphore_mem>>
          %dma_start3A_123 = arith.constant 0 : i32
          %dma_start3A_124 = arith.constant 0 : i32
          %dma_start3A_125 = tpu.memref_slice %arg10[%run_scoped3A, %dma_start3A_123, %dma_start3A_124] : memref<2x80x128xf32, #tpu.memory_space<vmem>> -> memref<1x80x128xf32, #tpu.memory_space<vmem>>
          %dma_start3A_126 = tpu.memref_squeeze %dma_start3A_125 : memref<1x80x128xf32, #tpu.memory_space<vmem>> -> memref<80x128xf32, #tpu.memory_space<vmem>>
          %dma_start3A_127 = arith.constant 0 : i32
          %dma_start3A_128 = tpu.memref_slice %arg13[%mul3A_106, %dma_start3A_127] : memref<2560x128xf32, #tpu.memory_space<vmem_shared>> -> memref<80x128xf32, #tpu.memory_space<vmem_shared>>
          %dma_start3A_129 = arith.constant 0 : i32
          %dma_start3A_130 = tpu.memref_slice %arg13[%mul3A_106, %dma_start3A_129] : memref<2560x128xf32, #tpu.memory_space<vmem_shared>> -> memref<80x128xf32, #tpu.memory_space<vmem_shared>>
          %dma_start3A_131 = arith.constant 0 : i32
          %dma_start3A_132 = arith.constant 0 : i32
          %dma_start3A_133 = tpu.memref_slice %arg10[%run_scoped3A, %dma_start3A_131, %dma_start3A_132] : memref<2x80x128xf32, #tpu.memory_space<vmem>> -> memref<1x80x128xf32, #tpu.memory_space<vmem>>
          %dma_start3A_134 = tpu.memref_squeeze %dma_start3A_133 : memref<1x80x128xf32, #tpu.memory_space<vmem>> -> memref<80x128xf32, #tpu.memory_space<vmem>>
          tpu.enqueue_dma source(%dma_start3A_134 : memref<80x128xf32, #tpu.memory_space<vmem>>) target(%dma_start3A_130 : memref<80x128xf32, #tpu.memory_space<vmem_shared>>) target_semaphore(%run_scoped3A_122 : memref<!tpu.dma_semaphore, #tpu.memory_space<semaphore_mem>>)
          %dma_wait3A_135 = arith.constant 0 : i32
          %dma_wait3A_136 = arith.constant 0 : i32
          %dma_wait3A_137 = tpu.memref_slice %arg10[%run_scoped3A, %dma_wait3A_135, %dma_wait3A_136] : memref<2x80x128xf32, #tpu.memory_space<vmem>> -> memref<1x80x128xf32, #tpu.memory_space<vmem>>
          %dma_wait3A_138 = tpu.memref_squeeze %dma_wait3A_137 : memref<1x80x128xf32, #tpu.memory_space<vmem>> -> memref<80x128xf32, #tpu.memory_space<vmem>>
          %dma_wait3A_139 = arith.constant 0 : i32
          %dma_wait3A_140 = tpu.memref_slice %arg13[%mul3A_106, %dma_wait3A_139] : memref<2560x128xf32, #tpu.memory_space<vmem_shared>> -> memref<80x128xf32, #tpu.memory_space<vmem_shared>>
          %dma_wait3A_141 = arith.constant 0 : i32
          %dma_wait3A_142 = tpu.memref_slice %arg13[%mul3A_106, %dma_wait3A_141] : memref<2560x128xf32, #tpu.memory_space<vmem_shared>> -> memref<80x128xf32, #tpu.memory_space<vmem_shared>>
          %dma_wait3A_143 = arith.constant 0 : i32
          %dma_wait3A_144 = arith.constant 0 : i32
          %dma_wait3A_145 = tpu.memref_slice %arg10[%run_scoped3A, %dma_wait3A_143, %dma_wait3A_144] : memref<2x80x128xf32, #tpu.memory_space<vmem>> -> memref<1x80x128xf32, #tpu.memory_space<vmem>>
          %dma_wait3A_146 = tpu.memref_squeeze %dma_wait3A_145 : memref<1x80x128xf32, #tpu.memory_space<vmem>> -> memref<80x128xf32, #tpu.memory_space<vmem>>
          tpu.wait_dma2 semaphore(%run_scoped3A_122 : memref<!tpu.dma_semaphore, #tpu.memory_space<semaphore_mem>>) src(%dma_wait3A_146 : memref<80x128xf32, #tpu.memory_space<vmem>>) dst(%dma_wait3A_142 : memref<80x128xf32, #tpu.memory_space<vmem_shared>>)
          tpu.yield
        }) : () -> ()
        %run_scoped3A_107 = arith.constant 1 : i32
        %run_scoped3A_108 = arith.constant 1 : i32
        "tpu.region"() ({
          %run_scoped3A_122 = tpu.sem_alloc : memref<!tpu.dma_semaphore, #tpu.memory_space<semaphore_mem>>
          %dma_start3A_123 = arith.constant 0 : i32
          %dma_start3A_124 = arith.constant 0 : i32
          %dma_start3A_125 = tpu.memref_slice %arg11[%run_scoped3A_107, %dma_start3A_123, %dma_start3A_124] : memref<2x80x128xf32, #tpu.memory_space<vmem>> -> memref<1x80x128xf32, #tpu.memory_space<vmem>>
          %dma_start3A_126 = tpu.memref_squeeze %dma_start3A_125 : memref<1x80x128xf32, #tpu.memory_space<vmem>> -> memref<80x128xf32, #tpu.memory_space<vmem>>
          %dma_start3A_127 = arith.constant 0 : i32
          %dma_start3A_128 = tpu.memref_slice %arg12[%run_scoped3A_108, %dma_start3A_127] : memref<2x80xi32, #tpu.memory_space<vmem>> -> memref<1x80xi32, #tpu.memory_space<vmem>>
          %dma_start3A_129 = tpu.memref_squeeze %dma_start3A_128 : memref<1x80xi32, #tpu.memory_space<vmem>> -> memref<80xi32, #tpu.memory_space<vmem>>
          %dma_start3A_130 = arith.constant 0 : i32
          %dma_start3A_131 = arith.constant 0 : i32
          %dma_start3A_132 = tpu.memref_slice %arg13[%dma_start3A_130, %dma_start3A_131] : memref<2560x128xf32, #tpu.memory_space<vmem_shared>> -> memref<2560x128xf32, #tpu.memory_space<vmem_shared>>
          tpu.enqueue_indirect_dma source(%dma_start3A_126 : memref<80x128xf32, #tpu.memory_space<vmem>>) target(%dma_start3A_132 : memref<2560x128xf32, #tpu.memory_space<vmem_shared>>) offsets(%dma_start3A_129 : memref<80xi32, #tpu.memory_space<vmem>>) semaphore(%run_scoped3A_122 : memref<!tpu.dma_semaphore, #tpu.memory_space<semaphore_mem>>) {add = true}
          %dma_wait3A_133 = arith.constant 0 : i32
          %dma_wait3A_134 = arith.constant 0 : i32
          %dma_wait3A_135 = tpu.memref_slice %arg11[%run_scoped3A_107, %dma_wait3A_133, %dma_wait3A_134] : memref<2x80x128xf32, #tpu.memory_space<vmem>> -> memref<1x80x128xf32, #tpu.memory_space<vmem>>
          %dma_wait3A_136 = tpu.memref_squeeze %dma_wait3A_135 : memref<1x80x128xf32, #tpu.memory_space<vmem>> -> memref<80x128xf32, #tpu.memory_space<vmem>>
          %dma_wait3A_137 = arith.constant 0 : i32
          %dma_wait3A_138 = tpu.memref_slice %arg12[%run_scoped3A_108, %dma_wait3A_137] : memref<2x80xi32, #tpu.memory_space<vmem>> -> memref<1x80xi32, #tpu.memory_space<vmem>>
          %dma_wait3A_139 = tpu.memref_squeeze %dma_wait3A_138 : memref<1x80xi32, #tpu.memory_space<vmem>> -> memref<80xi32, #tpu.memory_space<vmem>>
          %dma_wait3A_140 = arith.constant 0 : i32
          %dma_wait3A_141 = arith.constant 0 : i32
          %dma_wait3A_142 = tpu.memref_slice %arg13[%dma_wait3A_140, %dma_wait3A_141] : memref<2560x128xf32, #tpu.memory_space<vmem_shared>> -> memref<2560x128xf32, #tpu.memory_space<vmem_shared>>
          tpu.wait_indirect_dma semaphore(%run_scoped3A_122 : memref<!tpu.dma_semaphore, #tpu.memory_space<semaphore_mem>>) src(%dma_wait3A_136 : memref<80x128xf32, #tpu.memory_space<vmem>>) dst(%dma_wait3A_142 : memref<2560x128xf32, #tpu.memory_space<vmem_shared>>)
          tpu.yield
        }) : () -> ()
        %mul3A_109 = arith.constant 2 : i32
        %mul3A_110 = arith.muli %arg1, %mul3A_109 : i32
        %add3A_111 = arith.constant 1 : i32
        %add3A_112 = arith.addi %mul3A_110, %add3A_111 : i32
        %mul3A_113 = arith.constant 80 : i32
        %mul3A_114 = arith.muli %add3A_112, %mul3A_113 : i32
        %mul3A_115 = arith.constant 80 : i32
        %mul3A_116 = arith.muli %add3A_62, %mul3A_115 : i32
        %add3A_117 = arith.addi %mul3A_2, %mul3A_116 : i32
        %dma_start3A_118 = arith.constant 0 : i32
        %dma_start3A_119 = tpu.memref_slice %arg7[%add3A_117, %dma_start3A_118] : memref<320000x128xf32, #tpu.memory_space<hbm>> -> memref<80x128xf32, #tpu.memory_space<hbm>>
        %dma_start3A_120 = arith.constant 0 : i32
        %dma_start3A_121 = tpu.memref_slice %arg13[%mul3A_114, %dma_start3A_120] : memref<2560x128xf32, #tpu.memory_space<vmem_shared>> -> memref<80x128xf32, #tpu.memory_space<vmem_shared>>
        tpu.enqueue_dma source(%dma_start3A_121 : memref<80x128xf32, #tpu.memory_space<vmem_shared>>) target(%dma_start3A_119 : memref<80x128xf32, #tpu.memory_space<hbm>>) target_semaphore(%arg19 : memref<!tpu.dma_semaphore, #tpu.memory_space<semaphore_mem>>)
      } else {
      }
    }
    %scan3A_30 = arith.constant 63 : i32
    %mul3A_31 = arith.constant 2 : i32
    %mul3A_32 = arith.muli %arg1, %mul3A_31 : i32
    %add3A_33 = arith.constant 1 : i32
    %add3A_34 = arith.addi %mul3A_32, %add3A_33 : i32
    %mul3A_35 = arith.constant 80 : i32
    %mul3A_36 = arith.muli %add3A_34, %mul3A_35 : i32
    %add3A_37 = arith.constant 9840 : i32
    %add3A_38 = arith.addi %mul3A_2, %add3A_37 : i32
    %dma_wait3A = arith.constant 0 : i32
    %dma_wait3A_39 = tpu.memref_slice %arg7[%add3A_38, %dma_wait3A] : memref<320000x128xf32, #tpu.memory_space<hbm>> -> memref<80x128xf32, #tpu.memory_space<hbm>>
    %dma_wait3A_40 = arith.constant 0 : i32
    %dma_wait3A_41 = tpu.memref_slice %arg13[%mul3A_36, %dma_wait3A_40] : memref<2560x128xf32, #tpu.memory_space<vmem_shared>> -> memref<80x128xf32, #tpu.memory_space<vmem_shared>>
    tpu.wait_dma2 semaphore(%arg19 : memref<!tpu.dma_semaphore, #tpu.memory_space<semaphore_mem>>) src(%dma_wait3A_41 : memref<80x128xf32, #tpu.memory_space<vmem_shared>>) dst(%dma_wait3A_39 : memref<80x128xf32, #tpu.memory_space<hbm>>)
    %mul3A_42 = arith.constant 2 : i32
    %mul3A_43 = arith.muli %arg1, %mul3A_42 : i32
    %add3A_44 = arith.constant 0 : i32
    %add3A_45 = arith.addi %mul3A_43, %add3A_44 : i32
    %mul3A_46 = arith.constant 80 : i32
    %mul3A_47 = arith.muli %add3A_45, %mul3A_46 : i32
    %add3A_48 = arith.constant 9920 : i32
    %add3A_49 = arith.addi %mul3A_2, %add3A_48 : i32
    %dma_wait3A_50 = arith.constant 0 : i32
    %dma_wait3A_51 = tpu.memref_slice %arg7[%add3A_49, %dma_wait3A_50] : memref<320000x128xf32, #tpu.memory_space<hbm>> -> memref<80x128xf32, #tpu.memory_space<hbm>>
    %dma_wait3A_52 = arith.constant 0 : i32
    %dma_wait3A_53 = tpu.memref_slice %arg13[%mul3A_47, %dma_wait3A_52] : memref<2560x128xf32, #tpu.memory_space<vmem_shared>> -> memref<80x128xf32, #tpu.memory_space<vmem_shared>>
    tpu.wait_dma2 semaphore(%arg18 : memref<!tpu.dma_semaphore, #tpu.memory_space<semaphore_mem>>) src(%dma_wait3A_53 : memref<80x128xf32, #tpu.memory_space<vmem_shared>>) dst(%dma_wait3A_51 : memref<80x128xf32, #tpu.memory_space<hbm>>)
    return
  }
}

module attributes {stable_mosaic.version = 14 : i64} {
  func.func @_prep_body(%arg0: i32, %arg1: memref<2000x128xf32, #tpu.memory_space<vmem>>, %arg2: memref<128x128xf32, #tpu.memory_space<vmem>>, %arg3: memref<128x128xf32, #tpu.memory_space<vmem>>, %arg4: memref<128x128xf32, #tpu.memory_space<vmem>>, %arg5: memref<1x128xf32, #tpu.memory_space<vmem>>, %arg6: memref<2000x128xf32, #tpu.memory_space<vmem>>, %arg7: memref<2000x128xf32, #tpu.memory_space<vmem>>, %arg8: memref<2000x128xf32, #tpu.memory_space<vmem>>) attributes {dimension_semantics = [#tpu.dimension_semantics<arbitrary>], iteration_bounds = array<i64: 5>, scalar_prefetch = 0 : i64, scratch_operands = 0 : i64, tpu.core_type = #tpu.core_type<tc>, window_params = [{transform_indices = @transform_0, window_bounds = array<i64: 2000, 128>}, {pipeline_mode = #tpu.pipeline_mode<synchronous>, transform_indices = @transform_1, window_bounds = array<i64: 128, 128>}, {pipeline_mode = #tpu.pipeline_mode<synchronous>, transform_indices = @transform_2, window_bounds = array<i64: 128, 128>}, {pipeline_mode = #tpu.pipeline_mode<synchronous>, transform_indices = @transform_3, window_bounds = array<i64: 128, 128>}, {pipeline_mode = #tpu.pipeline_mode<synchronous>, transform_indices = @transform_4, window_bounds = array<i64: 1, 128>}, {transform_indices = @transform_5, window_bounds = array<i64: 2000, 128>}, {transform_indices = @transform_6, window_bounds = array<i64: 2000, 128>}, {transform_indices = @transform_7, window_bounds = array<i64: 2000, 128>}]} {
    %get3A = arith.constant 0 : index
    %get3A_0 = arith.constant 0 : index
    %get3A_1 = vector.load %arg1[%get3A, %get3A_0] : memref<2000x128xf32, #tpu.memory_space<vmem>>, vector<2000x128xf32>
    %get3A_2 = arith.constant 0 : index
    %get3A_3 = arith.constant 0 : index
    %get3A_4 = vector.load %arg2[%get3A_2, %get3A_3] : memref<128x128xf32, #tpu.memory_space<vmem>>, vector<128x128xf32>
    %dot_general3A = arith.constant dense<0.000000e+00> : vector<2000x128xf32>
    %dot_general3A_5 = tpu.matmul %get3A_1, %get3A_4, %dot_general3A {dimension_numbers = #tpu.dot_dimension_numbers<[1], [0], [0], [1], [0, 0, 1, 1], [], []>, transpose_lhs_hint = false} : vector<2000x128xf32>, vector<128x128xf32>, vector<2000x128xf32> -> vector<2000x128xf32>
    %swap3A = arith.constant 0 : index
    %swap3A_6 = arith.constant 0 : index
    %swap3A_7 = vector.load %arg6[%swap3A, %swap3A_6] : memref<2000x128xf32, #tpu.memory_space<vmem>>, vector<2000x128xf32>
    tpu.vector_store %arg6[%swap3A, %swap3A_6], %dot_general3A_5 {strides = array<i32>} : memref<2000x128xf32, #tpu.memory_space<vmem>>, vector<2000x128xf32>,
    %get3A_8 = arith.constant 0 : index
    %get3A_9 = arith.constant 0 : index
    %get3A_10 = vector.load %arg3[%get3A_8, %get3A_9] : memref<128x128xf32, #tpu.memory_space<vmem>>, vector<128x128xf32>
    %dot_general3A_11 = arith.constant dense<0.000000e+00> : vector<2000x128xf32>
    %dot_general3A_12 = tpu.matmul %get3A_1, %get3A_10, %dot_general3A_11 {dimension_numbers = #tpu.dot_dimension_numbers<[1], [0], [0], [1], [0, 0, 1, 1], [], []>, transpose_lhs_hint = false} : vector<2000x128xf32>, vector<128x128xf32>, vector<2000x128xf32> -> vector<2000x128xf32>
    %swap3A_13 = arith.constant 0 : index
    %swap3A_14 = arith.constant 0 : index
    %swap3A_15 = vector.load %arg7[%swap3A_13, %swap3A_14] : memref<2000x128xf32, #tpu.memory_space<vmem>>, vector<2000x128xf32>
    tpu.vector_store %arg7[%swap3A_13, %swap3A_14], %dot_general3A_12 {strides = array<i32>} : memref<2000x128xf32, #tpu.memory_space<vmem>>, vector<2000x128xf32>,
    %get3A_16 = arith.constant 0 : index
    %get3A_17 = arith.constant 0 : index
    %get3A_18 = vector.load %arg4[%get3A_16, %get3A_17] : memref<128x128xf32, #tpu.memory_space<vmem>>, vector<128x128xf32>
    %dot_general3A_19 = arith.constant dense<0.000000e+00> : vector<2000x128xf32>
    %dot_general3A_20 = tpu.matmul %get3A_1, %get3A_18, %dot_general3A_19 {dimension_numbers = #tpu.dot_dimension_numbers<[1], [0], [0], [1], [0, 0, 1, 1], [], []>, transpose_lhs_hint = false} : vector<2000x128xf32>, vector<128x128xf32>, vector<2000x128xf32> -> vector<2000x128xf32>
    %get3A_21 = arith.constant 0 : index
    %get3A_22 = arith.constant 0 : index
    %get3A_23 = vector.load %arg5[%get3A_21, %get3A_22] : memref<1x128xf32, #tpu.memory_space<vmem>>, vector<1x128xf32>
    %add3A = vector.broadcast %get3A_23 : vector<1x128xf32> to vector<2000x128xf32>
    %add3A_24 = arith.addf %dot_general3A_20, %add3A : vector<2000x128xf32>
    %swap3A_25 = arith.constant 0 : index
    %swap3A_26 = arith.constant 0 : index
    %swap3A_27 = vector.load %arg8[%swap3A_25, %swap3A_26] : memref<2000x128xf32, #tpu.memory_space<vmem>>, vector<2000x128xf32>
    tpu.vector_store %arg8[%swap3A_25, %swap3A_26], %add3A_24 {strides = array<i32>} : memref<2000x128xf32, #tpu.memory_space<vmem>>, vector<2000x128xf32>,
    return
  }
  func.func @transform_0(%arg0: i32) -> (i32, i32) {
    %c0_i32 = arith.constant 0 : i32
    %c0_i32_0 = arith.constant 0 : i32
    return %arg0, %c0_i32 : i32, i32
  }
  func.func @transform_1(%arg0: i32) -> (i32, i32) {
    %c0_i32 = arith.constant 0 : i32
    %c0_i32_0 = arith.constant 0 : i32
    %c0_i32_1 = arith.constant 0 : i32
    return %c0_i32, %c0_i32_0 : i32, i32
  }
  func.func @transform_2(%arg0: i32) -> (i32, i32) {
    %c0_i32 = arith.constant 0 : i32
    %c0_i32_0 = arith.constant 0 : i32
    %c0_i32_1 = arith.constant 0 : i32
    return %c0_i32, %c0_i32_0 : i32, i32
  }
  func.func @transform_3(%arg0: i32) -> (i32, i32) {
    %c0_i32 = arith.constant 0 : i32
    %c0_i32_0 = arith.constant 0 : i32
    %c0_i32_1 = arith.constant 0 : i32
    return %c0_i32, %c0_i32_0 : i32, i32
  }
  func.func @transform_4(%arg0: i32) -> (i32, i32) {
    %c0_i32 = arith.constant 0 : i32
    %c0_i32_0 = arith.constant 0 : i32
    %c0_i32_1 = arith.constant 0 : i32
    return %c0_i32, %c0_i32_0 : i32, i32
  }
  func.func @transform_5(%arg0: i32) -> (i32, i32) {
    %c0_i32 = arith.constant 0 : i32
    %c0_i32_0 = arith.constant 0 : i32
    return %arg0, %c0_i32 : i32, i32
  }
  func.func @transform_6(%arg0: i32) -> (i32, i32) {
    %c0_i32 = arith.constant 0 : i32
    %c0_i32_0 = arith.constant 0 : i32
    return %arg0, %c0_i32 : i32, i32
  }
  func.func @transform_7(%arg0: i32) -> (i32, i32) {
    %c0_i32 = arith.constant 0 : i32
    %c0_i32_0 = arith.constant 0 : i32
    return %arg0, %c0_i32 : i32, i32
  }
}

module attributes {stable_mosaic.version = 14 : i64} {
  func.func @_edge_body(%arg0: i32, %arg1: memref<4000x128xf32, #tpu.memory_space<vmem>>, %arg2: memref<4000x16xf32, #tpu.memory_space<vmem>>, %arg3: memref<4000x1xi32, #tpu.memory_space<vmem>>, %arg4: memref<16x128xf32, #tpu.memory_space<vmem>>, %arg5: memref<1x128xf32, #tpu.memory_space<vmem>>, %arg6: memref<128x128xf32, #tpu.memory_space<vmem>>, %arg7: memref<1x128xf32, #tpu.memory_space<vmem>>, %arg8: memref<1x128xf32, #tpu.memory_space<vmem>>, %arg9: memref<1x128xf32, #tpu.memory_space<vmem>>, %arg10: memref<4000x16xf32, #tpu.memory_space<vmem>>, %arg11: memref<4000x128xf32, #tpu.memory_space<vmem>>) attributes {dimension_semantics = [#tpu.dimension_semantics<arbitrary>], iteration_bounds = array<i64: 80>, scalar_prefetch = 0 : i64, scratch_operands = 0 : i64, tpu.core_type = #tpu.core_type<tc>, window_params = [{transform_indices = @transform_0, window_bounds = array<i64: 4000, 128>}, {transform_indices = @transform_1, window_bounds = array<i64: 4000, 16>}, {transform_indices = @transform_2, window_bounds = array<i64: 4000, 1>}, {pipeline_mode = #tpu.pipeline_mode<synchronous>, transform_indices = @transform_3, window_bounds = array<i64: 16, 128>}, {pipeline_mode = #tpu.pipeline_mode<synchronous>, transform_indices = @transform_4, window_bounds = array<i64: 1, 128>}, {pipeline_mode = #tpu.pipeline_mode<synchronous>, transform_indices = @transform_5, window_bounds = array<i64: 128, 128>}, {pipeline_mode = #tpu.pipeline_mode<synchronous>, transform_indices = @transform_6, window_bounds = array<i64: 1, 128>}, {pipeline_mode = #tpu.pipeline_mode<synchronous>, transform_indices = @transform_7, window_bounds = array<i64: 1, 128>}, {pipeline_mode = #tpu.pipeline_mode<synchronous>, transform_indices = @transform_8, window_bounds = array<i64: 1, 128>}, {transform_indices = @transform_9, window_bounds = array<i64: 4000, 16>}, {transform_indices = @transform_10, window_bounds = array<i64: 4000, 128>}]} {
    %get3A = arith.constant 0 : index
    %get3A_0 = arith.constant 0 : index
    %get3A_1 = vector.load %arg2[%get3A, %get3A_0] : memref<4000x16xf32, #tpu.memory_space<vmem>>, vector<4000x16xf32>
    %get3A_2 = arith.constant 0 : index
    %get3A_3 = arith.constant 0 : index
    %get3A_4 = vector.load %arg1[%get3A_2, %get3A_3] : memref<4000x128xf32, #tpu.memory_space<vmem>>, vector<4000x128xf32>
    %get3A_5 = arith.constant 0 : index
    %get3A_6 = arith.constant 0 : index
    %get3A_7 = vector.load %arg4[%get3A_5, %get3A_6] : memref<16x128xf32, #tpu.memory_space<vmem>>, vector<16x128xf32>
    %dot_general3A = arith.constant dense<0.000000e+00> : vector<4000x128xf32>
    %dot_general3A_8 = tpu.matmul %get3A_1, %get3A_7, %dot_general3A {dimension_numbers = #tpu.dot_dimension_numbers<[1], [0], [0], [1], [0, 0, 1, 1], [], []>, transpose_lhs_hint = false} : vector<4000x16xf32>, vector<16x128xf32>, vector<4000x128xf32> -> vector<4000x128xf32>
    %add3A = arith.addf %get3A_4, %dot_general3A_8 : vector<4000x128xf32>
    %get3A_9 = arith.constant 0 : index
    %get3A_10 = arith.constant 0 : index
    %get3A_11 = vector.load %arg5[%get3A_9, %get3A_10] : memref<1x128xf32, #tpu.memory_space<vmem>>, vector<1x128xf32>
    %add3A_12 = vector.broadcast %get3A_11 : vector<1x128xf32> to vector<4000x128xf32>
    %add3A_13 = arith.addf %add3A, %add3A_12 : vector<4000x128xf32>
    %max3A = arith.constant 0.000000e+00 : f32
    %max3A_14 = vector.broadcast %max3A : f32 to vector<4000x128xf32>
    %max3A_15 = arith.maximumf %add3A_13, %max3A_14 : vector<4000x128xf32>
    %get3A_16 = arith.constant 0 : index
    %get3A_17 = arith.constant 0 : index
    %get3A_18 = vector.load %arg6[%get3A_16, %get3A_17] : memref<128x128xf32, #tpu.memory_space<vmem>>, vector<128x128xf32>
    %dot_general3A_19 = arith.constant dense<0.000000e+00> : vector<4000x128xf32>
    %dot_general3A_20 = tpu.matmul %max3A_15, %get3A_18, %dot_general3A_19 {dimension_numbers = #tpu.dot_dimension_numbers<[1], [0], [0], [1], [0, 0, 1, 1], [], []>, transpose_lhs_hint = false} : vector<4000x128xf32>, vector<128x128xf32>, vector<4000x128xf32> -> vector<4000x128xf32>
    %get3A_21 = arith.constant 0 : index
    %get3A_22 = arith.constant 0 : index
    %get3A_23 = vector.load %arg7[%get3A_21, %get3A_22] : memref<1x128xf32, #tpu.memory_space<vmem>>, vector<1x128xf32>
    %add3A_24 = vector.broadcast %get3A_23 : vector<1x128xf32> to vector<4000x128xf32>
    %add3A_25 = arith.addf %dot_general3A_20, %add3A_24 : vector<4000x128xf32>
    %reduce_sum3A = arith.constant dense<0.000000e+00> : vector<4000xf32>
    %reduce_sum3A_26 = vector.multi_reduction <add>, %add3A_25, %reduce_sum3A [1] : vector<4000x128xf32> to vector<4000xf32>
    %broadcast_in_dim3A = vector.shape_cast %reduce_sum3A_26 : vector<4000xf32> to vector<4000x1xf32>
    %div3A = arith.constant 1.280000e+02 : f32
    %div3A_27 = vector.broadcast %div3A : f32 to vector<4000x1xf32>
    %div3A_28 = arith.divf %broadcast_in_dim3A, %div3A_27 : vector<4000x1xf32>
    %sub3A = vector.broadcast %div3A_28 : vector<4000x1xf32> to vector<4000x128xf32>
    %sub3A_29 = arith.subf %add3A_25, %sub3A : vector<4000x128xf32>
    %mul3A = arith.mulf %sub3A_29, %sub3A_29 : vector<4000x128xf32>
    %reduce_sum3A_30 = arith.constant dense<0.000000e+00> : vector<4000xf32>
    %reduce_sum3A_31 = vector.multi_reduction <add>, %mul3A, %reduce_sum3A_30 [1] : vector<4000x128xf32> to vector<4000xf32>
    %broadcast_in_dim3A_32 = vector.shape_cast %reduce_sum3A_31 : vector<4000xf32> to vector<4000x1xf32>
    %div3A_33 = arith.constant 1.280000e+02 : f32
    %div3A_34 = vector.broadcast %div3A_33 : f32 to vector<4000x1xf32>
    %div3A_35 = arith.divf %broadcast_in_dim3A_32, %div3A_34 : vector<4000x1xf32>
    %add3A_36 = arith.constant 9.99999974E-6 : f32
    %add3A_37 = vector.broadcast %add3A_36 : f32 to vector<4000x1xf32>
    %add3A_38 = arith.addf %div3A_35, %add3A_37 : vector<4000x1xf32>
    %rsqrt3A = math.rsqrt %add3A_38 : vector<4000x1xf32>
    %mul3A_39 = vector.broadcast %rsqrt3A : vector<4000x1xf32> to vector<4000x128xf32>
    %mul3A_40 = arith.mulf %sub3A_29, %mul3A_39 : vector<4000x128xf32>
    %get3A_41 = arith.constant 0 : index
    %get3A_42 = arith.constant 0 : index
    %get3A_43 = vector.load %arg8[%get3A_41, %get3A_42] : memref<1x128xf32, #tpu.memory_space<vmem>>, vector<1x128xf32>
    %mul3A_44 = vector.broadcast %get3A_43 : vector<1x128xf32> to vector<4000x128xf32>
    %mul3A_45 = arith.mulf %mul3A_40, %mul3A_44 : vector<4000x128xf32>
    %get3A_46 = arith.constant 0 : index
    %get3A_47 = arith.constant 0 : index
    %get3A_48 = vector.load %arg9[%get3A_46, %get3A_47] : memref<1x128xf32, #tpu.memory_space<vmem>>, vector<1x128xf32>
    %add3A_49 = vector.broadcast %get3A_48 : vector<1x128xf32> to vector<4000x128xf32>
    %add3A_50 = arith.addf %mul3A_45, %add3A_49 : vector<4000x128xf32>
    %slice3A = vector.extract_strided_slice %add3A_50 {offsets = [0, 0], sizes = [4000, 16], strides = [1, 1]} : vector<4000x128xf32> to vector<4000x16xf32>
    %add3A_51 = arith.addf %get3A_1, %slice3A : vector<4000x16xf32>
    %swap3A = arith.constant 0 : index
    %swap3A_52 = arith.constant 0 : index
    %swap3A_53 = vector.load %arg10[%swap3A, %swap3A_52] : memref<4000x16xf32, #tpu.memory_space<vmem>>, vector<4000x16xf32>
    tpu.vector_store %arg10[%swap3A, %swap3A_52], %add3A_51 {strides = array<i32>} : memref<4000x16xf32, #tpu.memory_space<vmem>>, vector<4000x16xf32>,
    %iota3A = tpu.iota {dimensions = array<i32: 1>} : vector<4000x128xi32>
    %jit3A = arith.constant 16 : i32
    %div3A_54 = vector.broadcast %jit3A : i32 to vector<4000x128xi32>
    %div3A_55 = arith.divsi %iota3A, %div3A_54 : vector<4000x128xi32>
    %sign3A = arith.constant 0 : i32
    %sign3A_56 = vector.broadcast %sign3A : i32 to vector<4000x128xi32>
    %sign3A_57 = arith.cmpi sgt, %iota3A, %sign3A_56 : vector<4000x128xi32>
    %sign3A_58 = arith.extui %sign3A_57 : vector<4000x128xi1> to vector<4000x128xi32>
    %sign3A_59 = arith.constant 0 : i32
    %sign3A_60 = vector.broadcast %sign3A_59 : i32 to vector<4000x128xi32>
    %sign3A_61 = arith.cmpi slt, %iota3A, %sign3A_60 : vector<4000x128xi32>
    %sign3A_62 = arith.extui %sign3A_61 : vector<4000x128xi1> to vector<4000x128xi32>
    %sign3A_63 = arith.subi %sign3A_58, %sign3A_62 : vector<4000x128xi32>
    %sign3A_64 = arith.constant 0 : i32
    %sign3A_65 = arith.cmpi sgt, %jit3A, %sign3A_64 : i32
    %sign3A_66 = arith.extui %sign3A_65 : i1 to i32
    %sign3A_67 = arith.constant 0 : i32
    %sign3A_68 = arith.cmpi slt, %jit3A, %sign3A_67 : i32
    %sign3A_69 = arith.extui %sign3A_68 : i1 to i32
    %sign3A_70 = arith.subi %sign3A_66, %sign3A_69 : i32
    %ne3A = vector.broadcast %sign3A_70 : i32 to vector<4000x128xi32>
    %ne3A_71 = arith.cmpi ne, %sign3A_63, %ne3A : vector<4000x128xi32>
    %rem3A = vector.broadcast %jit3A : i32 to vector<4000x128xi32>
    %rem3A_72 = arith.remsi %iota3A, %rem3A : vector<4000x128xi32>
    %ne3A_73 = arith.constant 0 : i32
    %ne3A_74 = vector.broadcast %ne3A_73 : i32 to vector<4000x128xi32>
    %ne3A_75 = arith.cmpi ne, %rem3A_72, %ne3A_74 : vector<4000x128xi32>
    %and3A = arith.andi %ne3A_71, %ne3A_75 : vector<4000x128xi1>
    %sub3A_76 = arith.constant 1 : i32
    %sub3A_77 = vector.broadcast %sub3A_76 : i32 to vector<4000x128xi32>
    %sub3A_78 = arith.subi %div3A_55, %sub3A_77 : vector<4000x128xi32>
    %select_n3A = arith.select %and3A, %sub3A_78, %div3A_55 : vector<4000x128xi1>, vector<4000x128xi32>
    %get3A_79 = arith.constant 0 : index
    %get3A_80 = arith.constant 0 : index
    %get3A_81 = vector.load %arg3[%get3A_79, %get3A_80] : memref<4000x1xi32, #tpu.memory_space<vmem>>, vector<4000x1xi32>
    %eq3A = vector.broadcast %get3A_81 : vector<4000x1xi32> to vector<4000x128xi32>
    %eq3A_82 = arith.cmpi eq, %select_n3A, %eq3A : vector<4000x128xi32>
    %jit3A_83 = arith.constant 0.000000e+00 : f32
    %broadcast_in_dim3A_84 = vector.broadcast %jit3A_83 : f32 to vector<4000x128xf32>
    %select_n3A_85 = arith.select %eq3A_82, %add3A_50, %broadcast_in_dim3A_84 : vector<4000x128xi1>, vector<4000x128xf32>
    %swap3A_86 = arith.constant 0 : index
    %swap3A_87 = arith.constant 0 : index
    %swap3A_88 = vector.load %arg11[%swap3A_86, %swap3A_87] : memref<4000x128xf32, #tpu.memory_space<vmem>>, vector<4000x128xf32>
    tpu.vector_store %arg11[%swap3A_86, %swap3A_87], %select_n3A_85 {strides = array<i32>} : memref<4000x128xf32, #tpu.memory_space<vmem>>, vector<4000x128xf32>,
    return
  }
  func.func @transform_0(%arg0: i32) -> (i32, i32) {
    %c0_i32 = arith.constant 0 : i32
    %c0_i32_0 = arith.constant 0 : i32
    return %arg0, %c0_i32 : i32, i32
  }
  func.func @transform_1(%arg0: i32) -> (i32, i32) {
    %c0_i32 = arith.constant 0 : i32
    %c0_i32_0 = arith.constant 0 : i32
    return %arg0, %c0_i32 : i32, i32
  }
  func.func @transform_2(%arg0: i32) -> (i32, i32) {
    %c0_i32 = arith.constant 0 : i32
    %c0_i32_0 = arith.constant 0 : i32
    return %arg0, %c0_i32 : i32, i32
  }
  func.func @transform_3(%arg0: i32) -> (i32, i32) {
    %c0_i32 = arith.constant 0 : i32
    %c0_i32_0 = arith.constant 0 : i32
    %c0_i32_1 = arith.constant 0 : i32
    return %c0_i32, %c0_i32_0 : i32, i32
  }
  func.func @transform_4(%arg0: i32) -> (i32, i32) {
    %c0_i32 = arith.constant 0 : i32
    %c0_i32_0 = arith.constant 0 : i32
    %c0_i32_1 = arith.constant 0 : i32
    return %c0_i32, %c0_i32_0 : i32, i32
  }
  func.func @transform_5(%arg0: i32) -> (i32, i32) {
    %c0_i32 = arith.constant 0 : i32
    %c0_i32_0 = arith.constant 0 : i32
    %c0_i32_1 = arith.constant 0 : i32
    return %c0_i32, %c0_i32_0 : i32, i32
  }
  func.func @transform_6(%arg0: i32) -> (i32, i32) {
    %c0_i32 = arith.constant 0 : i32
    %c0_i32_0 = arith.constant 0 : i32
    %c0_i32_1 = arith.constant 0 : i32
    return %c0_i32, %c0_i32_0 : i32, i32
  }
  func.func @transform_7(%arg0: i32) -> (i32, i32) {
    %c0_i32 = arith.constant 0 : i32
    %c0_i32_0 = arith.constant 0 : i32
    %c0_i32_1 = arith.constant 0 : i32
    return %c0_i32, %c0_i32_0 : i32, i32
  }
  func.func @transform_8(%arg0: i32) -> (i32, i32) {
    %c0_i32 = arith.constant 0 : i32
    %c0_i32_0 = arith.constant 0 : i32
    %c0_i32_1 = arith.constant 0 : i32
    return %c0_i32, %c0_i32_0 : i32, i32
  }
  func.func @transform_9(%arg0: i32) -> (i32, i32) {
    %c0_i32 = arith.constant 0 : i32
    %c0_i32_0 = arith.constant 0 : i32
    return %arg0, %c0_i32 : i32, i32
  }
  func.func @transform_10(%arg0: i32) -> (i32, i32) {
    %c0_i32 = arith.constant 0 : i32
    %c0_i32_0 = arith.constant 0 : i32
    return %arg0, %c0_i32 : i32, i32
  }
}

module attributes {stable_mosaic.version = 14 : i64} {
  func.func @_node_body(%arg0: i32, %arg1: memref<2000x128xf32, #tpu.memory_space<vmem>>, %arg2: memref<2x2000x16xf32, #tpu.memory_space<vmem>>, %arg3: memref<2000x128xf32, #tpu.memory_space<vmem>>, %arg4: memref<16x128xf32, #tpu.memory_space<vmem>>, %arg5: memref<128x128xf32, #tpu.memory_space<vmem>>, %arg6: memref<1x128xf32, #tpu.memory_space<vmem>>, %arg7: memref<1x128xf32, #tpu.memory_space<vmem>>, %arg8: memref<1x128xf32, #tpu.memory_space<vmem>>, %arg9: memref<2000x128xf32, #tpu.memory_space<vmem>>) attributes {dimension_semantics = [#tpu.dimension_semantics<arbitrary>], iteration_bounds = array<i64: 5>, scalar_prefetch = 0 : i64, scratch_operands = 0 : i64, tpu.core_type = #tpu.core_type<tc>, window_params = [{transform_indices = @transform_0, window_bounds = array<i64: 2000, 128>}, {transform_indices = @transform_1, window_bounds = array<i64: 2, 2000, 16>}, {transform_indices = @transform_2, window_bounds = array<i64: 2000, 128>}, {pipeline_mode = #tpu.pipeline_mode<synchronous>, transform_indices = @transform_3, window_bounds = array<i64: 16, 128>}, {pipeline_mode = #tpu.pipeline_mode<synchronous>, transform_indices = @transform_4, window_bounds = array<i64: 128, 128>}, {pipeline_mode = #tpu.pipeline_mode<synchronous>, transform_indices = @transform_5, window_bounds = array<i64: 1, 128>}, {pipeline_mode = #tpu.pipeline_mode<synchronous>, transform_indices = @transform_6, window_bounds = array<i64: 1, 128>}, {pipeline_mode = #tpu.pipeline_mode<synchronous>, transform_indices = @transform_7, window_bounds = array<i64: 1, 128>}, {transform_indices = @transform_8, window_bounds = array<i64: 2000, 128>}]} {
    %get3A = arith.constant 0 : index
    %get3A_0 = arith.constant 0 : index
    %get3A_1 = arith.constant 0 : index
    %get3A_2 = vector.load %arg2[%get3A, %get3A_0, %get3A_1] : memref<2x2000x16xf32, #tpu.memory_space<vmem>>, vector<1x2000x16xf32>
    %get3A_3 = vector.shape_cast %get3A_2 : vector<1x2000x16xf32> to vector<2000x16xf32>
    %get3A_4 = arith.constant 1 : index
    %get3A_5 = arith.constant 0 : index
    %get3A_6 = arith.constant 0 : index
    %get3A_7 = vector.load %arg2[%get3A_4, %get3A_5, %get3A_6] : memref<2x2000x16xf32, #tpu.memory_space<vmem>>, vector<1x2000x16xf32>
    %get3A_8 = vector.shape_cast %get3A_7 : vector<1x2000x16xf32> to vector<2000x16xf32>
    %add3A = arith.addf %get3A_3, %get3A_8 : vector<2000x16xf32>
    %get3A_9 = arith.constant 0 : index
    %get3A_10 = arith.constant 0 : index
    %get3A_11 = vector.load %arg1[%get3A_9, %get3A_10] : memref<2000x128xf32, #tpu.memory_space<vmem>>, vector<2000x128xf32>
    %get3A_12 = arith.constant 0 : index
    %get3A_13 = arith.constant 0 : index
    %get3A_14 = vector.load %arg4[%get3A_12, %get3A_13] : memref<16x128xf32, #tpu.memory_space<vmem>>, vector<16x128xf32>
    %dot_general3A = arith.constant dense<0.000000e+00> : vector<2000x128xf32>
    %dot_general3A_15 = tpu.matmul %add3A, %get3A_14, %dot_general3A {dimension_numbers = #tpu.dot_dimension_numbers<[1], [0], [0], [1], [0, 0, 1, 1], [], []>, transpose_lhs_hint = false} : vector<2000x16xf32>, vector<16x128xf32>, vector<2000x128xf32> -> vector<2000x128xf32>
    %add3A_16 = arith.addf %get3A_11, %dot_general3A_15 : vector<2000x128xf32>
    %max3A = arith.constant 0.000000e+00 : f32
    %max3A_17 = vector.broadcast %max3A : f32 to vector<2000x128xf32>
    %max3A_18 = arith.maximumf %add3A_16, %max3A_17 : vector<2000x128xf32>
    %get3A_19 = arith.constant 0 : index
    %get3A_20 = arith.constant 0 : index
    %get3A_21 = vector.load %arg5[%get3A_19, %get3A_20] : memref<128x128xf32, #tpu.memory_space<vmem>>, vector<128x128xf32>
    %dot_general3A_22 = arith.constant dense<0.000000e+00> : vector<2000x128xf32>
    %dot_general3A_23 = tpu.matmul %max3A_18, %get3A_21, %dot_general3A_22 {dimension_numbers = #tpu.dot_dimension_numbers<[1], [0], [0], [1], [0, 0, 1, 1], [], []>, transpose_lhs_hint = false} : vector<2000x128xf32>, vector<128x128xf32>, vector<2000x128xf32> -> vector<2000x128xf32>
    %get3A_24 = arith.constant 0 : index
    %get3A_25 = arith.constant 0 : index
    %get3A_26 = vector.load %arg6[%get3A_24, %get3A_25] : memref<1x128xf32, #tpu.memory_space<vmem>>, vector<1x128xf32>
    %add3A_27 = vector.broadcast %get3A_26 : vector<1x128xf32> to vector<2000x128xf32>
    %add3A_28 = arith.addf %dot_general3A_23, %add3A_27 : vector<2000x128xf32>
    %reduce_sum3A = arith.constant dense<0.000000e+00> : vector<2000xf32>
    %reduce_sum3A_29 = vector.multi_reduction <add>, %add3A_28, %reduce_sum3A [1] : vector<2000x128xf32> to vector<2000xf32>
    %broadcast_in_dim3A = vector.shape_cast %reduce_sum3A_29 : vector<2000xf32> to vector<2000x1xf32>
    %div3A = arith.constant 1.280000e+02 : f32
    %div3A_30 = vector.broadcast %div3A : f32 to vector<2000x1xf32>
    %div3A_31 = arith.divf %broadcast_in_dim3A, %div3A_30 : vector<2000x1xf32>
    %sub3A = vector.broadcast %div3A_31 : vector<2000x1xf32> to vector<2000x128xf32>
    %sub3A_32 = arith.subf %add3A_28, %sub3A : vector<2000x128xf32>
    %mul3A = arith.mulf %sub3A_32, %sub3A_32 : vector<2000x128xf32>
    %reduce_sum3A_33 = arith.constant dense<0.000000e+00> : vector<2000xf32>
    %reduce_sum3A_34 = vector.multi_reduction <add>, %mul3A, %reduce_sum3A_33 [1] : vector<2000x128xf32> to vector<2000xf32>
    %broadcast_in_dim3A_35 = vector.shape_cast %reduce_sum3A_34 : vector<2000xf32> to vector<2000x1xf32>
    %div3A_36 = arith.constant 1.280000e+02 : f32
    %div3A_37 = vector.broadcast %div3A_36 : f32 to vector<2000x1xf32>
    %div3A_38 = arith.divf %broadcast_in_dim3A_35, %div3A_37 : vector<2000x1xf32>
    %add3A_39 = arith.constant 9.99999974E-6 : f32
    %add3A_40 = vector.broadcast %add3A_39 : f32 to vector<2000x1xf32>
    %add3A_41 = arith.addf %div3A_38, %add3A_40 : vector<2000x1xf32>
    %rsqrt3A = math.rsqrt %add3A_41 : vector<2000x1xf32>
    %mul3A_42 = vector.broadcast %rsqrt3A : vector<2000x1xf32> to vector<2000x128xf32>
    %mul3A_43 = arith.mulf %sub3A_32, %mul3A_42 : vector<2000x128xf32>
    %get3A_44 = arith.constant 0 : index
    %get3A_45 = arith.constant 0 : index
    %get3A_46 = vector.load %arg7[%get3A_44, %get3A_45] : memref<1x128xf32, #tpu.memory_space<vmem>>, vector<1x128xf32>
    %mul3A_47 = vector.broadcast %get3A_46 : vector<1x128xf32> to vector<2000x128xf32>
    %mul3A_48 = arith.mulf %mul3A_43, %mul3A_47 : vector<2000x128xf32>
    %get3A_49 = arith.constant 0 : index
    %get3A_50 = arith.constant 0 : index
    %get3A_51 = vector.load %arg8[%get3A_49, %get3A_50] : memref<1x128xf32, #tpu.memory_space<vmem>>, vector<1x128xf32>
    %add3A_52 = vector.broadcast %get3A_51 : vector<1x128xf32> to vector<2000x128xf32>
    %add3A_53 = arith.addf %mul3A_48, %add3A_52 : vector<2000x128xf32>
    %get3A_54 = arith.constant 0 : index
    %get3A_55 = arith.constant 0 : index
    %get3A_56 = vector.load %arg3[%get3A_54, %get3A_55] : memref<2000x128xf32, #tpu.memory_space<vmem>>, vector<2000x128xf32>
    %add3A_57 = arith.addf %get3A_56, %add3A_53 : vector<2000x128xf32>
    %swap3A = arith.constant 0 : index
    %swap3A_58 = arith.constant 0 : index
    %swap3A_59 = vector.load %arg9[%swap3A, %swap3A_58] : memref<2000x128xf32, #tpu.memory_space<vmem>>, vector<2000x128xf32>
    tpu.vector_store %arg9[%swap3A, %swap3A_58], %add3A_57 {strides = array<i32>} : memref<2000x128xf32, #tpu.memory_space<vmem>>, vector<2000x128xf32>,
    return
  }
  func.func @transform_0(%arg0: i32) -> (i32, i32) {
    %c0_i32 = arith.constant 0 : i32
    %c0_i32_0 = arith.constant 0 : i32
    return %arg0, %c0_i32 : i32, i32
  }
  func.func @transform_1(%arg0: i32) -> (i32, i32, i32) {
    %c0_i32 = arith.constant 0 : i32
    %c0_i32_0 = arith.constant 0 : i32
    %c0_i32_1 = arith.constant 0 : i32
    return %c0_i32, %arg0, %c0_i32_0 : i32, i32, i32
  }
  func.func @transform_2(%arg0: i32) -> (i32, i32) {
    %c0_i32 = arith.constant 0 : i32
    %c0_i32_0 = arith.constant 0 : i32
    return %arg0, %c0_i32 : i32, i32
  }
  func.func @transform_3(%arg0: i32) -> (i32, i32) {
    %c0_i32 = arith.constant 0 : i32
    %c0_i32_0 = arith.constant 0 : i32
    %c0_i32_1 = arith.constant 0 : i32
    return %c0_i32, %c0_i32_0 : i32, i32
  }
  func.func @transform_4(%arg0: i32) -> (i32, i32) {
    %c0_i32 = arith.constant 0 : i32
    %c0_i32_0 = arith.constant 0 : i32
    %c0_i32_1 = arith.constant 0 : i32
    return %c0_i32, %c0_i32_0 : i32, i32
  }
  func.func @transform_5(%arg0: i32) -> (i32, i32) {
    %c0_i32 = arith.constant 0 : i32
    %c0_i32_0 = arith.constant 0 : i32
    %c0_i32_1 = arith.constant 0 : i32
    return %c0_i32, %c0_i32_0 : i32, i32
  }
  func.func @transform_6(%arg0: i32) -> (i32, i32) {
    %c0_i32 = arith.constant 0 : i32
    %c0_i32_0 = arith.constant 0 : i32
    %c0_i32_1 = arith.constant 0 : i32
    return %c0_i32, %c0_i32_0 : i32, i32
  }
  func.func @transform_7(%arg0: i32) -> (i32, i32) {
    %c0_i32 = arith.constant 0 : i32
    %c0_i32_0 = arith.constant 0 : i32
    %c0_i32_1 = arith.constant 0 : i32
    return %c0_i32, %c0_i32_0 : i32, i32
  }
  func.func @transform_8(%arg0: i32) -> (i32, i32) {
    %c0_i32 = arith.constant 0 : i32
    %c0_i32_0 = arith.constant 0 : i32
    return %arg0, %c0_i32 : i32, i32
  }
}

</mosaic_0001>

<sc_bundles>
// kernel: kernel.10.cloned.1.call-start
scs
__scs_entry_jumppad:
0x0: {  	(pc) =	sbr.rel $0x88, $3  }
0x1: {  	(tag) =	ssettag $0x0;
	lr =	simm.s32 $0x1  }
0x2: {  	[smem:$0x3F91] =	sst lr;
	_ =	strace $0xD0000000  }
0x3: {  	_ = 	snop  }
0x4: {  	_ = 	snop  }
0x5: {  	_ = 	snop  }
0x6: {  	_ = 	snop  }
0x7: {  	_ = 	snop  }
__scs_overlays_trampoline_lowered:
0x8: {  	[smem:$0x3FA0] =	sst s0  }
0x9: {  	[smem:$0x3FA1] =	sst s1  }
0xa: {  	[smem:$0x3FA2] =	sst s2  }
0xb: {  	[smem:$0x3FA3] =	sst s3  }
0xc: {  	[smem:$0x3FA4] =	sst s4  }
0xd: {  	[smem:$0x3FA5] =	sst s5  }
0xe: {  	[smem:$0x3FA6] =	sst s6  }
0xf: {  	[smem:$0x3FA7] =	sst s7  }
0x10: {  	[smem:$0x3FA8] =	sst s8  }
0x11: {  	[smem:$0x3FA9] =	sst s9;
	s0 =	simm.s32 @!p0 $0x0  }
0x12: {  	s1 =	sld [smem:$0x3F8F];
	s0 =	simm.s32 @p0 $0x1  }
0x13: {  	[smem:$0x3FAA] =	sst s0;
	s0 =	simm.s32 @!p1 $0x0  }
0x14: {  	s2 =	sld [smem:$0x3F8E];
	s0 =	simm.s32 @p1 $0x1  }
0x15: {  	[smem:$0x3FAB] =	sst s0;
	s0 =	simm.s32 @!p2 $0x0  }
0x16: {  	s3 =	sld [smem:$0x3FDB];
	s0 =	simm.s32 @p2 $0x1  }
0x17: {  	s4 =	simm.s32 $0x1BF5;
	[smem:$0x3FAD] =	sst s0  }
0x18: {  	s0 =	sld [smem:$0x3F90];
	_ =	swait.ge [sflag:s4], $0x0  }
0x19: {  	s7 =	sld [smem:$0x3F91]  }
0x1a: {  	s8 =	sadd.s32 $0xFFFFE003, lr  }
0x1b: {  	s9 =	sadd.s32 $0xFFFFFEF7, lr;
	s5 =	simm.s32 $0xFFFFFFFF;
	p2 =	slt.u32 s8, $0xFFFFF086  }
0x1c: {  	p1 =	slt.u32 s9, $0xF7A;
	s5 =	simm.s32 @!p2 $0x0  }
0x1d: {  	s5 =	simm.s32 @p1 $0x1;
	p0 =	seq.s32 s7, s2  }
0x1e: {  	s7 =	smul.u32 @!p0 $0xF7A, s2;
	p2 =	seq.s32 @!p0 s5, $0x0  }
0x1f: {  	s9 =	smul.u32 $0xF7A, s1;
	s8 =	simm.s32 @!p0 $0x1BF5;
	p2 =	por !p2, p0  }
0x20: {  	[sflag:s8] =	ssyncset.s32 @!p0 $0xFFFFF086;
	s6 =	sadd.s32 @!p0 s3, s7;
	s7 =	simm.s32 @!p0 $0x108  }
0x21: {  	s3 =	sadd.s32 s3, s9;
	s6 =	sadd.s32 @!p0 $0x88, s6;
	s7 =	simm.s32 @p2 $0x1082  }
0x22: {  	[simem:s7], [sflag:s8] =	dma.local @!p0 [hbm:s6], $0xF7A  }
0x23: {  	s9 =	sor.u32 $0xD0000000, s2;
	s6 =	simm.s32 $0x108;
	_ =	swait.ge @!p0 [sflag:s8], $0x0  }
0x24: {  	s3 =	sadd.s32 $0x88, s3;
	s6 =	simm.s32 @!p1 $0x1082;
	[sflag:s4] =	ssyncset.s32 $0xFFFFF086  }
0x25: {  	[simem:s6], [sflag:s4] =	dma.local [hbm:s3], $0xF7A  }
0x26: {  	[smem:$0x3F91] =	sst s1;
	(tag) =	ssettag s2;
	_ =	strace s9  }
0x27: {  	s1 =	sld [smem:$0x3FA1]  }
0x28: {  	s2 =	sld [smem:$0x3FA2]  }
0x29: {  	s4 =	sld [smem:$0x3FA4]  }
0x2a: {  	p0 =	seq.s32 s5, $0x0;
	s5 =	sld [smem:$0x3FA5]  }
0x2b: {  	s6 =	sld [smem:$0x3FA6]  }
0x2c: {  	s7 =	sld [smem:$0x3FA7]  }
0x2d: {  	s3 =	simm.s32 $0x108;
	s8 =	sld [smem:$0x3FA8]  }
0x2e: {  	s3 =	simm.s32 @!p0 $0x1082;
	s9 =	sld [smem:$0x3FA9]  }
0x2f: {  	lr =	sadd.s32 s0, s3;
	s0 =	sld [smem:$0x3FA0]  }
0x30: {  	s3 =	sld [smem:$0x3FA3]  }
0x31: {  	[smem:$0x3FAC] =	sst s10  }
0x32: {  	s10 =	sld [smem:$0x3FAA];
	_ =	sdelay $0x3  }
0x33: {  	p0 =	seq.s32 s10, $0x1;
	s10 =	sld [smem:$0x3FAC];
	_ =	sdelay $0x3  }
0x34: {  	[smem:$0x3FAC] =	sst s10  }
0x35: {  	s10 =	sld [smem:$0x3FAB];
	_ =	sdelay $0x3  }
0x36: {  	p1 =	seq.s32 s10, $0x1;
	s10 =	sld [smem:$0x3FAC];
	_ =	sdelay $0x3  }
0x37: {  	[smem:$0x3FAC] =	sst s10  }
0x38: {  	s10 =	sld [smem:$0x3FAD]  }
0x39: {  	_ = 	snop;
	(pc) =	sbr.ind lr, $3  }
0x3a: {  	_ = 	snop  }
0x3b: {  	_ = 	snop  }
0x3c: {  	p2 =	seq.s32 s10, $0x1;
	s10 =	sld [smem:$0x3FAC]  }
0x3d: {  	_ =	shalt  }
0x3e: {  	_ =	shalt  }
0x3f: {  	_ =	shalt  }
0x40: {  	_ =	shalt  }
0x41: {  	_ =	shalt  }
0x42: {  	_ =	shalt  }
0x43: {  	_ =	shalt  }
0x44: {  	_ =	shalt  }
0x45: {  	_ =	shalt  }
0x46: {  	_ =	shalt  }
0x47: {  	_ =	shalt  }
0x48: {  	_ =	shalt  }
0x49: {  	_ =	shalt  }
0x4a: {  	_ =	shalt  }
0x4b: {  	_ =	shalt  }
0x4c: {  	_ =	shalt  }
0x4d: {  	_ =	shalt  }
0x4e: {  	_ =	shalt  }
0x4f: {  	_ =	shalt  }
0x50: {  	_ =	shalt  }
0x51: {  	_ =	shalt  }
0x52: {  	_ =	shalt  }
0x53: {  	_ =	shalt  }
0x54: {  	_ =	shalt  }
0x55: {  	_ =	shalt  }
0x56: {  	_ =	shalt  }
0x57: {  	_ =	shalt  }
0x58: {  	_ =	shalt  }
0x59: {  	_ =	shalt  }
0x5a: {  	_ =	shalt  }
0x5b: {  	_ =	shalt  }
0x5c: {  	_ =	shalt  }
0x5d: {  	_ =	shalt  }
0x5e: {  	_ =	shalt  }
0x5f: {  	_ =	shalt  }
0x60: {  	_ =	shalt  }
0x61: {  	_ =	shalt  }
0x62: {  	_ =	shalt  }
0x63: {  	_ =	shalt  }
0x64: {  	_ =	shalt  }
0x65: {  	_ =	shalt  }
0x66: {  	_ =	shalt  }
0x67: {  	_ =	shalt  }
0x68: {  	_ =	shalt  }
0x69: {  	_ =	shalt  }
0x6a: {  	_ =	shalt  }
0x6b: {  	_ =	shalt  }
0x6c: {  	_ =	shalt  }
0x6d: {  	_ =	shalt  }
0x6e: {  	_ =	shalt  }
0x6f: {  	_ =	shalt  }
0x70: {  	_ =	shalt  }
0x71: {  	_ =	shalt  }
0x72: {  	_ =	shalt  }
0x73: {  	_ =	shalt  }
0x74: {  	_ =	shalt  }
0x75: {  	_ =	shalt  }
0x76: {  	_ =	shalt  }
0x77: {  	_ =	shalt  }
0x78: {  	_ =	shalt  }
0x79: {  	_ =	shalt  }
0x7a: {  	_ =	shalt  }
0x7b: {  	_ =	shalt  }
0x7c: {  	_ =	shalt  }
0x7d: {  	_ =	shalt  }
0x7e: {  	_ =	shalt  }
0x7f: {  	_ =	shalt  }
0x80: {  	_ =	shalt  }
0x81: {  	_ =	shalt  }
0x82: {  	_ =	shalt  }
0x83: {  	_ =	shalt  }
0x84: {  	_ =	shalt  }
0x85: {  	_ =	shalt  }
0x86: {  	_ =	shalt  }
0x87: {  	_ =	shalt  }
.Lfunc_end0:
.L_simem_size_0:
called_computation.1_lowered:
.L_overlay_start_0:
0x88: {  	s2 =	sld [smem:$0x3FD9]  }
0x89: {  	s3 =	sld [smem:$0x3FFE];
	_ =	sdelay $0x1  }
0x8a: {  	s1 =	srdreg.scid  }
0x8b: {  	s0 =	sand.u32 $0x1, s1  }
0x8c: {  	s16 =	sshll.u32 s0, $0xA;
	s2 =	sadd.s32 s3, s2  }
0x8d: {  	s2 =	sadd.s32 s2, s16  }
0x8e: {  	[smem:$0x3FB8] =	sst s2  }
0x8f: {  	_ = 	snop  }
0x90: {  	(tm) =	ssettm $0x1  }
0x91: {  	s17 =	sld [smem:$0x3FFB];
	_ =	sdelay $0x3  }
0x92: {  	_ =	strace s17  }
0x93: {  	s2 =	sld [smem:$0x3FFC];
	_ =	sdelay $0x3  }
0x94: {  	_ =	strace s2  }
0x95: {  	s2 =	sld [smem:$0x3FFD];
	_ =	sdelay $0x3  }
0x96: {  	_ =	strace s2  }
0x97: {  	_ =	strace $0x8FFFFFFF  }
0x98: {  	s18 =	sld [smem:$0x3FDB];
	_ =	sdelay $0x1  }
0x99: {  	s19 =	simm.s32 $_scs_section_size  }
0x9a: {  	s4 =	simm.s32 $_size__tile_overlayer_lowered;
	s5 =	simm.s32 $_tile_overlayer_lowered  }
0x9b: {  	s22 =	simm.s32 $0x1BFF;
	s21 =	sshll.u32 s5, $0x1;
	s2 =	sadd.s32 s19, s18  }
0x9c: {  	s6 =	simm.s32 $0x0;
	s20 =	sshll.u32 s4, $0x1;
	s4 =	sadd.s32 s21, s2  }
0x9d: {  	[timem:s6], [sflag:s22] =	dma.local [hbm:s4], s20  }
0x9e: {  	_ =	swait.ge [sflag:s22], s20  }
0x9f: {  	s3 =	ssub.s32 $0x0, s20;
	[sflag:s22] =	ssyncset.done $0x0  }
0xa0: {  	[sflag:s22] =	ssyncadd.s32 s3;
	_ =	sdelay $0x1  }
0xa1: {  	s23 =	simm.s32 $0x1B8B  }
0xa2: {  	_ =	swait.ge [sflag:s23], $0x1  }
0xa3: {  	[sflag:s23] =	ssyncset.done $0x0  }
0xa4: {  	s25 =	simm.s32 $0x1B8E;
	s24 =	sld [smem:$0x3FFE];
	[sflag:s23] =	ssyncadd.s32 $0xFFFFFFFF  }
0xa5: {  	s26 =	simm.s32 $execute0_lowered;
	[smem:$0x3FD2] =	sst s25  }
0xa6: {  	s4 =	sshll.u32 s26, $0x1;
	_ =	strace $0x80000049;
	[dreg:$0x1] =	wrdreg $0xFFFFFFFF  }
0xa7: {  	s28 =	simm.s32 $_size_execute0_lowered;
	s2 =	sadd.s32 s2, s4;
	[dreg:$0x0] =	wrdreg $0x0  }
0xa8: {  	s4 =	sshll.u32 s28, $0x1;
	[dreg:$0x2] =	wrdreg s2  }
0xa9: {  	[dreg:$0x3] =	wrdreg s4  }
0xaa: {  	[dreg:$0x4] =	wrdreg $0xC0  }
0xab: {  	_ =	task [dreg:s6], $0x5FFFF  }
0xac: {  	[dreg:$0x1] =	wrdreg $0xFFFFFFFF  }
0xad: {  	[dreg:$0x0] =	wrdreg $0x60  }
0xae: {  	[dreg:$0x2] =	wrdreg s24  }
0xaf: {  	[dreg:$0x3] =	wrdreg $0x90000  }
0xb0: {  	[dreg:$0x4] =	wrdreg $0x9  }
0xb1: {  	_ =	task.clear_ibuf [dreg:s6], $0x5FFFF;
	_ =	strace $0x90000049  }
0xb2: {  	s29 =	simm.s32 $0x9;
	_ =	strace $0x8000004B  }
0xb3: {  	_ =	swait.ge [sflag:s29], $0x1  }
0xb4: {  	[sflag:s29] =	ssyncadd.s32 $0xFFFFFFFF  }
0xb5: {  	_ =	strace $0x9000004B  }
0xb6: {  	_ =	sfence  }
0xb7: {  	s30 =	sld [smem:$0x0];
	_ =	sdelay $0x2  }
0xb8: {  	s31 =	sshll.u32 s1, $0xD;
	s1 =	sshrl.u32 s1, $0x2  }
0xb9: {  	s3 =	sand.u32 $0x4000, s31;
	s1 =	sadd.s32 s1, s30  }
0xba: {  	s0 =	sor.u32 s3, s0;
	s1 =	sshll.u32 s1, $0x11  }
0xbb: {  	s0 =	sor.u32 s1, s0  }
0xbc: {  	s0 =	sadd.s32 $0x8F2B, s0  }
0xbd: {  	[sflag:s0] =	ssyncadd.remote.s32 $0x1  }
0xbe: {  	_ =	sfence.sel $0xFFFF  }
0xbf: {  	[dreg:$0x0] =	wrdreg $0xFFFFFFFF;
	(pc) =	sbr.abs _section_cstart, $3  }
0xc0: {  	[dreg:$0x1] =	wrdreg $0xFFFFFFFF  }
0xc1: {  	_ =	task.clear_ibuf [dreg:s6], $0x2FFFF;
	_ =	strace $0x9FFFFFFF  }
0xc2: {  	(tm) =	ssettm $0x7FFFFFFF  }
0xc3: {  	_ =	shalt  }
tec
execute0_lowered:
.L_overlay_start_1:
0x0: {  	(tag) =	ssettag $0x1  }
0x1: {  	s4 =	rddreg [dreg:$0x0]  }
0x2: {  	s1 =	rddreg [dreg:$0x1]  }
0x3: {  	s0 =	rddreg [dreg:$0x2];
	s2 =	simm.s32 $0x0;
	s3 =	srdreg.scid  }
0x4: {  	s7 =	stileid.u32;
	s14 =	simm.s32 $0x50;
	s15 =	simm.s32 $0x4  }
0x5: {  	s16 =	simm.s32 $0x2;
	s17 =	simm.s32 $0x3E00;
	s18 =	simm.s32 $0x0  }
0x6: {  	[smem:$0x7FF] =	sst s2;
	s5 =	sand.u32 $0x1, s3;
	s29 =	sshll.u32 s7, $0x1  }
0x7: {  	s6 =	sadd.s32 $0x13E3400, s4;
	s13 =	smul.u32 $0x4E200, s7;
	p0 =	sne.s32 s7, $0x0  }
0x8: {  	_ =	strace $0x8000004A;
	s3 =	sor.u32 s5, s29;
	s9 =	smul.u32 $0x4E80, s5  }
0x9: {  	s10 =	ssub.s32 $0x2, s5;
	s30 =	smul.u32 $0x27100, s5;
	s8 =	sshll.u32 s3, $0xB  }
0xa: {  	s11 =	smul.u32 $0x27100, s3;
	s3 =	sadd.s32 $0x4000, s4;
	s12 =	sshrl.u32 s10, $0x1  }
0xb: {  	s31 =	sadd.s32 s13, s6;
	s13 =	simm.s32 $0x1;
	s8 =	sadd.s32 s8, s4  }
0xc: {  	s9 =	sadd.s32 s9, s4;
	s10 =	ssub.s32 s10, s12;
	s12 =	simm.s32 $0x6800  }
0xd: {  	s4 =	sadd.s32 $0xEF1400, s8;
	s5 =	sadd.s32 s6, s11;
	s6 =	sadd.s32 $0x9000, s9  }
0xe: {  	s8 =	sadd.s32 s30, s31;
	s7 =	smax.u32 s10, $0x1;
	s9 =	sshrl.u32 @!p0 s1, $0x3  }
0xf: {  	s10 =	simm.s32 $0x3;
	s11 =	simm.s32 $0x4000;
	s8 =	sadd.s32 $0x500, s8  }
.LBB2_1:
0x10: {  	s19 =	simm.s32 @!p0 $0x1C03  }
0x11: {  	[spmem:s9], [sflag:s19] =	dma.local @!p0 [hbm:s3], $0x4E20  }
0x12: {  	s19 =	simm.s32 @!p0 $0x3  }
0x13: {  	_ =	swait.ge @!p0 [sflag:s19], $0x4E20  }
0x14: {  	[sflag:s19] =	ssyncset.done @!p0 $0x0  }
0x15: {  	[sflag:s19] =	ssyncadd.s32 @!p0 $0xFFFFB1E0  }
0x16: {  	[tilespmem:s2], [sflag:$0x3] =	stream.linear.gather [hbm4b:s4+s2], $0x3E80, $0x38;
	[tilespmem:$0xB710] =	vst v63  }
0x17: {  	_ =	swait.ge [sflag:s10], $0x3E80  }
0x18: {  	[sflag:s10] =	ssyncset.done $0x0  }
0x19: {  	[sflag:s10] =	ssyncadd.s32 $0xFFFFC180  }
0x1a: {  	[bflag:$0x0] =	sbarrier.arrive $0xFFFF  }
0x1b: {  	[tilespmem:s11], [sflag:$0x1] =	stream.linear.gather [hbm4b:s5+s2], $0x2800, $0x38;
	[tilespmem:$0xB710] =	vst v63  }
0x1c: {  	_ = 	snop  }
0x1d: {  	[tilespmem:s12], [sflag:$0x2] =	stream.linear.gather [hbm4b:s8+s2], $0x2800, $0x38;
	[tilespmem:$0xB710] =	vst v63  }
0x1e: {  	_ =	swait.ge [sflag:s13], $0x2800  }
0x1f: {  	[sflag:s13] =	ssyncset.done $0x0  }
0x20: {  	s29 =	simm.s32 $0x0;
	[sflag:s13] =	ssyncadd.s32 $0xFFFFD800  }
0x21: {  	[spmem:s1] =	stream.indirect.scatter.add.f32 [tilespmem:s11], [sflag:$0x4], $0x80, s29, s14, $0xb8;
	[tilespmem:$0xB710] =	vst v63  }
0x22: {  	_ =	swait.ge [sflag:s15], $0x2800  }
0x23: {  	[sflag:s15] =	ssyncset.done $0x0  }
0x24: {  	s30 =	sadd.s32 $0x500, s8;
	[sflag:s15] =	ssyncadd.s32 $0xFFFFD800  }
0x25: {  	[tilespmem:s11], [sflag:$0x1] =	stream.linear.gather [hbm4b:s30+s2], $0x2800, $0x38;
	[tilespmem:$0xB710] =	vst v63  }
0x26: {  	_ =	swait.ge [sflag:s16], $0x2800  }
0x27: {  	[sflag:s16] =	ssyncset.done $0x0  }
0x28: {  	s31 =	simm.s32 $0x80;
	[sflag:s16] =	ssyncadd.s32 $0xFFFFD800  }
0x29: {  	[spmem:s1] =	stream.indirect.scatter.add.f32 [tilespmem:s12], [sflag:$0x3], $0x80, s31, s14, $0xb8;
	[tilespmem:$0xB710] =	vst v63  }
0x2a: {  	_ =	swait.ge [sflag:s10], $0x2800  }
0x2b: {  	s20 =	smov.u32 s8;
	s19 =	simm.s32 $0x400;
	[sflag:s10] =	ssyncset.done $0x0  }
.LBB2_2:
0x2c: {  	p1 =	sne.s32 s19, $0xF400;
	[sflag:s10] =	ssyncadd.s32 $0xFFFFD800;
	s20 =	sadd.s32 $0xA00, s20  }
0x2d: {  	[tilespmem:s12], [sflag:$0x2] =	stream.linear.gather [hbm4b:s20+s2], $0x2800, $0x38;
	[tilespmem:$0xB710] =	vst v63  }
0x2e: {  	s21 =	smov.u32 s19;
	s19 =	sadd.s32 $0x400, s19;
	_ =	swait.ge [sflag:s13], $0x2800  }
0x2f: {  	[sflag:s13] =	ssyncset.done $0x0  }
0x30: {  	s21 =	sshra.s32 s21, $0x2;
	[sflag:s13] =	ssyncadd.s32 $0xFFFFD800  }
0x31: {  	[spmem:s1] =	stream.indirect.scatter.add.f32 [tilespmem:s11], [sflag:$0x4], $0x80, s21, s14, $0xb8;
	[tilespmem:$0xB710] =	vst v63  }
0x32: {  	_ =	swait.ge [sflag:s15], $0x2800  }
0x33: {  	[sflag:s15] =	ssyncset.done $0x0  }
0x34: {  	s22 =	sadd.s32 $0x500, s20;
	[sflag:s15] =	ssyncadd.s32 $0xFFFFD800  }
0x35: {  	[tilespmem:s11], [sflag:$0x1] =	stream.linear.gather [hbm4b:s22+s2], $0x2800, $0x38;
	[tilespmem:$0xB710] =	vst v63  }
0x36: {  	_ =	swait.ge [sflag:s16], $0x2800  }
.Ltmp0:
0x37: {  	[sflag:s16] =	ssyncset.done $0x0;
	(pc) =	sbr.rel @p1 .LBB2_2-.Ltmp0, $4  }
0x38: {  	s21 =	sadd.s32 $0x80, s21;
	[sflag:s16] =	ssyncadd.s32 $0xFFFFD800  }
0x39: {  	[spmem:s1] =	stream.indirect.scatter.add.f32 [tilespmem:s12], [sflag:$0x3], $0x80, s21, s14, $0xb8;
	[tilespmem:$0xB710] =	vst v63  }
0x3a: {  	_ =	swait.ge [sflag:s10], $0x2800  }
0x3b: {  	[sflag:s10] =	ssyncset.done $0x0  }
0x3c: {  	[sflag:s10] =	ssyncadd.s32 $0xFFFFD800  }
0x3d: {  	_ =	swait.ge [sflag:s13], $0x2800  }
0x3e: {  	[sflag:s13] =	ssyncset.done $0x0  }
0x3f: {  	[sflag:s13] =	ssyncadd.s32 $0xFFFFD800  }
0x40: {  	[spmem:s1] =	stream.indirect.scatter.add.f32 [tilespmem:s11], [sflag:$0x4], $0x80, s17, s14, $0xb8;
	[tilespmem:$0xB710] =	vst v63  }
0x41: {  	_ =	swait.ge [sflag:s15], $0x2800  }
0x42: {  	[sflag:s15] =	ssyncset.done $0x0  }
0x43: {  	s18 =	sadd.s32 $0x1, s18;
	[sflag:s15] =	ssyncadd.s32 $0xFFFFD800  }
0x44: {  	s19 =	simm.s32 @!p0 $0x1C03;
	p1 =	sne.s32 s18, s7;
	[bflag:$0x0] =	sbarrier.arrive $0xFFFF  }
0x45: {  	[hbm:s6], [sflag:s19] =	dma.local @!p0 [spmem:s9], $0x4E20  }
.Ltmp1:
0x46: {  	_ = 	snop;
	(pc) =	sbr.rel @p1 .LBB2_1-.Ltmp1, $4  }
0x47: {  	s19 =	simm.s32 @!p0 $0x3  }
0x48: {  	_ =	swait.ge @!p0 [sflag:s19], $0x4E20  }
0x49: {  	[sflag:s19] =	ssyncset.done @!p0 $0x0  }
0x4a: {  	[sflag:s19] =	ssyncadd.s32 @!p0 $0xFFFFB1E0  }
0x4b: {  	_ =	sfence.sel $0x180000  }
0x4c: {  	[bflag:$0x0] =	sbarrier.arrive $0xFFFF  }
0x4d: {  	_ =	strace $0x9000004A  }
0x4e: {  	s0 =	sadd.s32 @!p0 $0x100000, s0;
	[bflag:$0x2] =	sbarrier.arrive $0xFFFF  }
0x4f: {  	[sflag:s0] =	ssyncadd.tile.s32 @!p0 $0x1;
	_ =	shalt  }
.Lfunc_end2:
_tile_overlayer_lowered:
.L_overlay_start_2:
0x50: {  	(tag) =	ssettag $0x2  }
0x51: {  	s0 =	rddreg [dreg:$0x0];
	s2 =	stileid.u32  }
0x52: {  	s1 =	rddreg [dreg:$0x1];
	p0 =	sne.s32 s2, $0x0  }
0x53: {  	s3 =	rddreg [dreg:$0x2];
	[bflag:$0x3] =	sbarrier.arrive $0xFFFF;
	s2 =	simm.s32 @!p0 $0x1C03  }
0x54: {  	[timem:s3], [sflag:s2] =	dma.local @!p0 [hbm:s0], s1  }
0x55: {  	s0 =	simm.s32 @!p0 $0x3  }
0x56: {  	_ =	swait.ge @!p0 [sflag:s0], s1  }
0x57: {  	s1 =	ssub.s32 @!p0 $0x0, s1;
	[sflag:s0] =	ssyncset.done @!p0 $0x0  }
0x58: {  	[sflag:s0] =	ssyncadd.s32 @!p0 s1  }
0x59: {  	[bflag:$0x3] =	sbarrier.arrive $0xFFFF  }
0x5a: {  	_ =	shalt  }

// kernel: kernel.7.cloned.1.call-start
scs
__scs_entry_jumppad:
0x0: {  	(pc) =	sbr.rel $0x88, $3  }
0x1: {  	(tag) =	ssettag $0x0;
	lr =	simm.s32 $0x1  }
0x2: {  	[smem:$0x3F91] =	sst lr;
	_ =	strace $0xD0000000  }
0x3: {  	_ = 	snop  }
0x4: {  	_ = 	snop  }
0x5: {  	_ = 	snop  }
0x6: {  	_ = 	snop  }
0x7: {  	_ = 	snop  }
__scs_overlays_trampoline_lowered:
0x8: {  	[smem:$0x3FA0] =	sst s0  }
0x9: {  	[smem:$0x3FA1] =	sst s1  }
0xa: {  	[smem:$0x3FA2] =	sst s2  }
0xb: {  	[smem:$0x3FA3] =	sst s3  }
0xc: {  	[smem:$0x3FA4] =	sst s4  }
0xd: {  	[smem:$0x3FA5] =	sst s5  }
0xe: {  	[smem:$0x3FA6] =	sst s6  }
0xf: {  	[smem:$0x3FA7] =	sst s7  }
0x10: {  	[smem:$0x3FA8] =	sst s8  }
0x11: {  	[smem:$0x3FA9] =	sst s9;
	s0 =	simm.s32 @!p0 $0x0  }
0x12: {  	s1 =	sld [smem:$0x3F8F];
	s0 =	simm.s32 @p0 $0x1  }
0x13: {  	[smem:$0x3FAA] =	sst s0;
	s0 =	simm.s32 @!p1 $0x0  }
0x14: {  	s2 =	sld [smem:$0x3F8E];
	s0 =	simm.s32 @p1 $0x1  }
0x15: {  	[smem:$0x3FAB] =	sst s0;
	s0 =	simm.s32 @!p2 $0x0  }
0x16: {  	s3 =	sld [smem:$0x3FDB];
	s0 =	simm.s32 @p2 $0x1  }
0x17: {  	s4 =	simm.s32 $0x1BF5;
	[smem:$0x3FAD] =	sst s0  }
0x18: {  	s0 =	sld [smem:$0x3F90];
	_ =	swait.ge [sflag:s4], $0x0  }
0x19: {  	s7 =	sld [smem:$0x3F91]  }
0x1a: {  	s8 =	sadd.s32 $0xFFFFE003, lr  }
0x1b: {  	s9 =	sadd.s32 $0xFFFFFEF7, lr;
	s5 =	simm.s32 $0xFFFFFFFF;
	p2 =	slt.u32 s8, $0xFFFFF086  }
0x1c: {  	p1 =	slt.u32 s9, $0xF7A;
	s5 =	simm.s32 @!p2 $0x0  }
0x1d: {  	s5 =	simm.s32 @p1 $0x1;
	p0 =	seq.s32 s7, s2  }
0x1e: {  	s7 =	smul.u32 @!p0 $0xF7A, s2;
	p2 =	seq.s32 @!p0 s5, $0x0  }
0x1f: {  	s9 =	smul.u32 $0xF7A, s1;
	s8 =	simm.s32 @!p0 $0x1BF5;
	p2 =	por !p2, p0  }
0x20: {  	[sflag:s8] =	ssyncset.s32 @!p0 $0xFFFFF086;
	s6 =	sadd.s32 @!p0 s3, s7;
	s7 =	simm.s32 @!p0 $0x108  }
0x21: {  	s3 =	sadd.s32 s3, s9;
	s6 =	sadd.s32 @!p0 $0x88, s6;
	s7 =	simm.s32 @p2 $0x1082  }
0x22: {  	[simem:s7], [sflag:s8] =	dma.local @!p0 [hbm:s6], $0xF7A  }
0x23: {  	s9 =	sor.u32 $0xD0000000, s2;
	s6 =	simm.s32 $0x108;
	_ =	swait.ge @!p0 [sflag:s8], $0x0  }
0x24: {  	s3 =	sadd.s32 $0x88, s3;
	s6 =	simm.s32 @!p1 $0x1082;
	[sflag:s4] =	ssyncset.s32 $0xFFFFF086  }
0x25: {  	[simem:s6], [sflag:s4] =	dma.local [hbm:s3], $0xF7A  }
0x26: {  	[smem:$0x3F91] =	sst s1;
	(tag) =	ssettag s2;
	_ =	strace s9  }
0x27: {  	s1 =	sld [smem:$0x3FA1]  }
0x28: {  	s2 =	sld [smem:$0x3FA2]  }
0x29: {  	s4 =	sld [smem:$0x3FA4]  }
0x2a: {  	p0 =	seq.s32 s5, $0x0;
	s5 =	sld [smem:$0x3FA5]  }
0x2b: {  	s6 =	sld [smem:$0x3FA6]  }
0x2c: {  	s7 =	sld [smem:$0x3FA7]  }
0x2d: {  	s3 =	simm.s32 $0x108;
	s8 =	sld [smem:$0x3FA8]  }
0x2e: {  	s3 =	simm.s32 @!p0 $0x1082;
	s9 =	sld [smem:$0x3FA9]  }
0x2f: {  	lr =	sadd.s32 s0, s3;
	s0 =	sld [smem:$0x3FA0]  }
0x30: {  	s3 =	sld [smem:$0x3FA3]  }
0x31: {  	[smem:$0x3FAC] =	sst s10  }
0x32: {  	s10 =	sld [smem:$0x3FAA];
	_ =	sdelay $0x3  }
0x33: {  	p0 =	seq.s32 s10, $0x1;
	s10 =	sld [smem:$0x3FAC];
	_ =	sdelay $0x3  }
0x34: {  	[smem:$0x3FAC] =	sst s10  }
0x35: {  	s10 =	sld [smem:$0x3FAB];
	_ =	sdelay $0x3  }
0x36: {  	p1 =	seq.s32 s10, $0x1;
	s10 =	sld [smem:$0x3FAC];
	_ =	sdelay $0x3  }
0x37: {  	[smem:$0x3FAC] =	sst s10  }
0x38: {  	s10 =	sld [smem:$0x3FAD]  }
0x39: {  	_ = 	snop;
	(pc) =	sbr.ind lr, $3  }
0x3a: {  	_ = 	snop  }
0x3b: {  	_ = 	snop  }
0x3c: {  	p2 =	seq.s32 s10, $0x1;
	s10 =	sld [smem:$0x3FAC]  }
0x3d: {  	_ =	shalt  }
0x3e: {  	_ =	shalt  }
0x3f: {  	_ =	shalt  }
0x40: {  	_ =	shalt  }
0x41: {  	_ =	shalt  }
0x42: {  	_ =	shalt  }
0x43: {  	_ =	shalt  }
0x44: {  	_ =	shalt  }
0x45: {  	_ =	shalt  }
0x46: {  	_ =	shalt  }
0x47: {  	_ =	shalt  }
0x48: {  	_ =	shalt  }
0x49: {  	_ =	shalt  }
0x4a: {  	_ =	shalt  }
0x4b: {  	_ =	shalt  }
0x4c: {  	_ =	shalt  }
0x4d: {  	_ =	shalt  }
0x4e: {  	_ =	shalt  }
0x4f: {  	_ =	shalt  }
0x50: {  	_ =	shalt  }
0x51: {  	_ =	shalt  }
0x52: {  	_ =	shalt  }
0x53: {  	_ =	shalt  }
0x54: {  	_ =	shalt  }
0x55: {  	_ =	shalt  }
0x56: {  	_ =	shalt  }
0x57: {  	_ =	shalt  }
0x58: {  	_ =	shalt  }
0x59: {  	_ =	shalt  }
0x5a: {  	_ =	shalt  }
0x5b: {  	_ =	shalt  }
0x5c: {  	_ =	shalt  }
0x5d: {  	_ =	shalt  }
0x5e: {  	_ =	shalt  }
0x5f: {  	_ =	shalt  }
0x60: {  	_ =	shalt  }
0x61: {  	_ =	shalt  }
0x62: {  	_ =	shalt  }
0x63: {  	_ =	shalt  }
0x64: {  	_ =	shalt  }
0x65: {  	_ =	shalt  }
0x66: {  	_ =	shalt  }
0x67: {  	_ =	shalt  }
0x68: {  	_ =	shalt  }
0x69: {  	_ =	shalt  }
0x6a: {  	_ =	shalt  }
0x6b: {  	_ =	shalt  }
0x6c: {  	_ =	shalt  }
0x6d: {  	_ =	shalt  }
0x6e: {  	_ =	shalt  }
0x6f: {  	_ =	shalt  }
0x70: {  	_ =	shalt  }
0x71: {  	_ =	shalt  }
0x72: {  	_ =	shalt  }
0x73: {  	_ =	shalt  }
0x74: {  	_ =	shalt  }
0x75: {  	_ =	shalt  }
0x76: {  	_ =	shalt  }
0x77: {  	_ =	shalt  }
0x78: {  	_ =	shalt  }
0x79: {  	_ =	shalt  }
0x7a: {  	_ =	shalt  }
0x7b: {  	_ =	shalt  }
0x7c: {  	_ =	shalt  }
0x7d: {  	_ =	shalt  }
0x7e: {  	_ =	shalt  }
0x7f: {  	_ =	shalt  }
0x80: {  	_ =	shalt  }
0x81: {  	_ =	shalt  }
0x82: {  	_ =	shalt  }
0x83: {  	_ =	shalt  }
0x84: {  	_ =	shalt  }
0x85: {  	_ =	shalt  }
0x86: {  	_ =	shalt  }
0x87: {  	_ =	shalt  }
.Lfunc_end0:
.L_simem_size_0:
called_computation_lowered:
.L_overlay_start_0:
0x88: {  	s2 =	sld [smem:$0x3FD9]  }
0x89: {  	s3 =	sld [smem:$0x3FFE];
	_ =	sdelay $0x1  }
0x8a: {  	s1 =	srdreg.scid  }
0x8b: {  	s0 =	sand.u32 $0x1, s1  }
0x8c: {  	s14 =	sshll.u32 s0, $0xA;
	s2 =	sadd.s32 s3, s2  }
0x8d: {  	s2 =	sadd.s32 s2, s14  }
0x8e: {  	[smem:$0x3FB8] =	sst s2  }
0x8f: {  	_ = 	snop  }
0x90: {  	s2 =	sld [smem:$0x3FD0];
	_ =	sdelay $0x2  }
0x91: {  	s15 =	simm.s32 $0xA;
	s4 =	simm.s32 $0x10  }
0x92: {  	[smem:s4], [sflag:s15] =	dma.local [hbm:s2], $0x1  }
0x93: {  	_ =	swait.eq [sflag:s15], $0x1  }
0x94: {  	[sflag:s15] =	ssyncset.done $0x0  }
0x95: {  	[sflag:s15] =	ssyncadd.s32 $0xFFFFFFFF  }
0x96: {  	s16 =	sld [smem:$0x11];
	(tm) =	ssettm $0x1  }
0x97: {  	s17 =	sld [smem:$0x3FFB];
	_ =	sdelay $0x3  }
0x98: {  	_ =	strace s17  }
0x99: {  	s3 =	sld [smem:$0x3FFC];
	_ =	sdelay $0x3  }
0x9a: {  	_ =	strace s3  }
0x9b: {  	s3 =	sld [smem:$0x3FFD];
	_ =	sdelay $0x3  }
0x9c: {  	_ =	strace s3  }
0x9d: {  	_ =	strace $0x8FFFFFFF  }
0x9e: {  	s18 =	sld [smem:$0x3FDB];
	_ =	sdelay $0x1  }
0x9f: {  	s19 =	simm.s32 $_scs_section_size  }
0xa0: {  	s5 =	simm.s32 $_size__tile_overlayer_lowered;
	s6 =	simm.s32 $_tile_overlayer_lowered  }
0xa1: {  	s22 =	simm.s32 $0x1BFF;
	s21 =	sshll.u32 s6, $0x1;
	s3 =	sadd.s32 s19, s18  }
0xa2: {  	s7 =	simm.s32 $0x0;
	s20 =	sshll.u32 s5, $0x1;
	s5 =	sadd.s32 s21, s3  }
0xa3: {  	[timem:s7], [sflag:s22] =	dma.local [hbm:s5], s20  }
0xa4: {  	_ =	swait.ge [sflag:s22], s20  }
0xa5: {  	s4 =	ssub.s32 $0x0, s20;
	[sflag:s22] =	ssyncset.done $0x0  }
0xa6: {  	[sflag:s22] =	ssyncadd.s32 s4;
	_ =	sdelay $0x1  }
0xa7: {  	s23 =	simm.s32 $0x1B8B  }
0xa8: {  	_ =	swait.ge [sflag:s23], $0x1  }
0xa9: {  	[sflag:s23] =	ssyncset.done $0x0  }
0xaa: {  	s25 =	simm.s32 $0x1B8E;
	s24 =	sld [smem:$0x3FFE];
	[sflag:s23] =	ssyncadd.s32 $0xFFFFFFFF  }
0xab: {  	s26 =	simm.s32 $execute0_lowered;
	[smem:$0x3FD2] =	sst s25  }
0xac: {  	s5 =	sshll.u32 s26, $0x1;
	_ =	strace $0x80000046;
	[dreg:$0x1] =	wrdreg $0xFFFFFFFF  }
0xad: {  	s28 =	simm.s32 $_size_execute0_lowered;
	s3 =	sadd.s32 s3, s5;
	[dreg:$0x0] =	wrdreg $0x0  }
0xae: {  	s5 =	sshll.u32 s28, $0x1;
	[dreg:$0x2] =	wrdreg s3  }
0xaf: {  	[dreg:$0x3] =	wrdreg s5  }
0xb0: {  	[dreg:$0x4] =	wrdreg $0xC0  }
0xb1: {  	_ =	task [dreg:s7], $0x5FFFF  }
0xb2: {  	[dreg:$0x1] =	wrdreg $0xFFFFFFFF  }
0xb3: {  	[dreg:$0x0] =	wrdreg $0x60  }
0xb4: {  	[dreg:$0x2] =	wrdreg s16  }
0xb5: {  	[dreg:$0x3] =	wrdreg s24  }
0xb6: {  	[dreg:$0x4] =	wrdreg $0x121000  }
0xb7: {  	[dreg:$0x5] =	wrdreg $0x9  }
0xb8: {  	_ =	task.clear_ibuf [dreg:s7], $0x6FFFF;
	_ =	strace $0x90000046  }
0xb9: {  	s29 =	simm.s32 $0x9;
	_ =	strace $0x80000048  }
0xba: {  	_ =	swait.ge [sflag:s29], $0x1  }
0xbb: {  	[sflag:s29] =	ssyncadd.s32 $0xFFFFFFFF  }
0xbc: {  	_ =	strace $0x90000048  }
0xbd: {  	_ =	sfence  }
0xbe: {  	s30 =	sld [smem:$0x0];
	_ =	sdelay $0x2  }
0xbf: {  	s31 =	sshll.u32 s1, $0xD;
	s1 =	sshrl.u32 s1, $0x2  }
0xc0: {  	s3 =	sand.u32 $0x4000, s31;
	s1 =	sadd.s32 s1, s30  }
0xc1: {  	s0 =	sor.u32 s3, s0;
	s1 =	sshll.u32 s1, $0x11  }
0xc2: {  	s0 =	sor.u32 s1, s0  }
0xc3: {  	s0 =	sadd.s32 $0x8F2B, s0  }
0xc4: {  	[sflag:s0] =	ssyncadd.remote.s32 $0x1  }
0xc5: {  	_ =	sfence.sel $0xFFFF  }
0xc6: {  	[dreg:$0x0] =	wrdreg $0xFFFFFFFF;
	(pc) =	sbr.abs _section_cstart, $3  }
0xc7: {  	[dreg:$0x1] =	wrdreg $0xFFFFFFFF  }
0xc8: {  	_ =	task.clear_ibuf [dreg:s7], $0x2FFFF;
	_ =	strace $0x9FFFFFFF  }
0xc9: {  	(tm) =	ssettm $0x7FFFFFFF  }
tec
execute0_lowered:
.L_overlay_start_1:
0x0: {  	(tag) =	ssettag $0x1  }
0x1: {  	s1 =	rddreg [dreg:$0x0]  }
0x2: {  	s0 =	rddreg [dreg:$0x1]  }
0x3: {  	s3 =	rddreg [dreg:$0x2]  }
0x4: {  	s2 =	srdreg.scid;
	s12 =	stileid.u32;
	s5 =	simm.s32 $0x0  }
0x5: {  	s16 =	simm.s32 $0x7;
	s18 =	simm.s32 $0x12000;
	s19 =	simm.s32 $0x50  }
0x6: {  	s20 =	simm.s32 $0x8000;
	s21 =	simm.s32 $0xD000;
	s23 =	simm.s32 $0xA800  }
0x7: {  	s28 =	simm.s32 $0x3;
	s31 =	simm.s32 $0x2;
	s22 =	simm.s32 $0x12080  }
0x8: {  	s2 =	sand.u32 $0x1, s2;
	s4 =	sshll.u32 s12, $0x1;
	[smem:$0x7FF] =	sst s5  }
0x9: {  	s5 =	sadd.s32 $0x24200, s0;
	s8 =	sshll.u32 s12, $0x5;
	s10 =	smul.u32 $0x14000, s12  }
0xa: {  	s26 =	smul.u32 $0x4E200, s12;
	s4 =	sor.u32 s2, s4;
	_ =	strace $0x80000047  }
0xb: {  	s7 =	ssub.s32 $0x2, s2;
	s11 =	sadd.s32 s8, s0;
	s2 =	smul.u32 $0x27100, s2  }
0xc: {  	s6 =	sshll.u32 s4, $0xB;
	s9 =	sshrl.u32 s7, $0x1;
	s25 =	sshrl.u32 s10, $0x2  }
0xd: {  	s4 =	smul.u32 $0x27100, s4;
	s29 =	sadd.s32 $0x4000, s11;
	s6 =	sadd.s32 s6, s0  }
0xe: {  	s0 =	sadd.s32 $0x4B400, s0;
	s7 =	ssub.s32 s7, s9;
	s8 =	sadd.s32 s25, s3  }
0xf: {  	[dreg:$0x6] =	wrdreg s29;
	s25 =	simm.s32 $0xF800;
	s24 =	sadd.s32 $0x4200, s6  }
0x10: {  	s6 =	sadd.s32 $0x14200, s6;
	s10 =	sadd.s32 $0x2800, s8;
	[dreg:$0x4] =	wrdreg s24  }
0x11: {  	s7 =	smax.u32 s7, $0x1;
	s4 =	sadd.s32 s0, s4;
	[dreg:$0x5] =	wrdreg s6  }
0x12: {  	s0 =	sadd.s32 s26, s0;
	s26 =	simm.s32 $0x1;
	[dreg:$0x7] =	wrdreg s7  }
0x13: {  	s30 =	sadd.s32 $0x500, s4;
	[dreg:$0x8] =	wrdreg s4;
	s4 =	sadd.s32 $0x26C00, s4  }
0x14: {  	s0 =	sadd.s32 s2, s0;
	s24 =	simm.s32 $0x5;
	[dreg:$0x9] =	wrdreg s30  }
0x15: {  	s2 =	simm.s32 $0x6;
	[dreg:$0xa] =	wrdreg s4;
	s0 =	sadd.s32 $0xA00, s0  }
0x16: {  	s6 =	simm.s32 $0x0;
	[dreg:$0xb] =	wrdreg s0;
	s0 =	simm.s32 $0x4  }
.LBB2_1:
0x17: {  	[dreg:$0xc] =	wrdreg s6  }
0x18: {  	s4 =	simm.s32 $0x0;
	s14 =	rddreg [dreg:$0x4]  }
0x19: {  	[tilespmem:s4], [sflag:$0x7] =	stream.linear.gather [hbm4b:s14+s4], $0x3E80, $0x38;
	[tilespmem:$0x17100] =	vst v63  }
0x1a: {  	_ =	swait.ge [sflag:s16], $0x3E80  }
0x1b: {  	[sflag:s16] =	ssyncset.done $0x0  }
0x1c: {  	s7 =	simm.s32 $0x4000;
	s15 =	rddreg [dreg:$0x5];
	[sflag:s16] =	ssyncadd.s32 $0xFFFFC180  }
0x1d: {  	[tilespmem:s7], [sflag:$0x7] =	stream.linear.gather [hbm4b:s15+s4], $0x3E80, $0x38;
	[tilespmem:$0x17100] =	vst v63  }
0x1e: {  	_ =	swait.ge [sflag:s16], $0x3E80  }
0x1f: {  	[sflag:s16] =	ssyncset.done $0x0  }
0x20: {  	s17 =	rddreg [dreg:$0x6];
	[sflag:s16] =	ssyncadd.s32 $0xFFFFC180  }
0x21: {  	[tilespmem:s18], [sflag:$0x7] =	stream.linear.gather [hbm4b:s17+s4], $0x100, $0x38;
	[tilespmem:$0x17100] =	vst v63  }
0x22: {  	_ =	swait.ge [sflag:s16], $0x100  }
0x23: {  	[sflag:s16] =	ssyncset.done $0x0  }
0x24: {  	[sflag:s16] =	ssyncadd.s32 $0xFFFFFF00  }
0x25: {  	[tilespmem:s20], [sflag:$0x1] =	stream.indirect.gather [hbm4b:s1+s19], $0x80, s4, s19, $0xb8;
	[tilespmem:$0x17100] =	vst v63  }
0x26: {  	_ = 	snop  }
0x27: {  	[tilespmem:s21], [sflag:$0x3] =	stream.indirect.gather [hbm4b:s5+s19], $0x80, s7, s19, $0xb8;
	[tilespmem:$0x17100] =	vst v63  }
0x28: {  	s29 =	simm.s32 $0x80  }
0x29: {  	[tilespmem:s23], [sflag:$0x2] =	stream.indirect.gather [hbm4b:s1+s19], $0x80, s29, s19, $0xb8;
	[tilespmem:$0x17100] =	vst v63  }
0x2a: {  	s6 =	simm.s32 $0x4080  }
0x2b: {  	[tilespmem:s25], [sflag:$0x4] =	stream.indirect.gather [hbm4b:s5+s19], $0x80, s6, s19, $0xb8;
	[tilespmem:$0x17100] =	vst v63  }
0x2c: {  	_ =	swait.ge [sflag:s26], $0x2800  }
0x2d: {  	[sflag:s26] =	ssyncset.done $0x0  }
0x2e: {  	[sflag:s26] =	ssyncadd.s32 $0xFFFFD800  }
0x2f: {  	_ =	swait.ge [sflag:s28], $0x2800  }
0x30: {  	[sflag:s28] =	ssyncset.done $0x0  }
0x31: {  	[sflag:s28] =	ssyncadd.s32 $0xFFFFD800  }
0x32: {  	[spmem:s8] =	stream.linear.scatter [tilespmem:s20], [sflag:$0x7], $0x2800, $0x38;
	[tilespmem:$0x17100] =	vst v63  }
0x33: {  	_ =	swait.ge [sflag:s16], $0x2800  }
0x34: {  	[sflag:s16] =	ssyncset.done $0x0  }
0x35: {  	s7 =	stileid.u32;
	[sflag:s16] =	ssyncadd.s32 $0xFFFFD800  }
0x36: {  	[spmem:s3] =	stream.indirect.scatter.add.f32 [tilespmem:s21], [sflag:$0x7], $0x80, s18, s19, $0xb8;
	[tilespmem:$0x17100] =	vst v63  }
0x37: {  	s4 =	sshll.u32 s7, $0x6;
	_ =	swait.ge [sflag:s16], $0x2800  }
0x38: {  	s11 =	simm.s32 $0x100;
	s30 =	sor.u32 $0x1C05, s4;
	[sflag:s16] =	ssyncset.done $0x0  }
0x39: {  	s6 =	sshrl.u32 s8, $0x3;
	s9 =	rddreg [dreg:$0x8];
	[sflag:s16] =	ssyncadd.s32 $0xFFFFD800  }
0x3a: {  	[hbm:s9], [sflag:s30] =	dma.local [spmem:s6], $0x500  }
0x3b: {  	[tilespmem:s20], [sflag:$0x1] =	stream.indirect.gather [hbm4b:s1+s19], $0x80, s11, s19, $0xb8;
	[tilespmem:$0x17100] =	vst v63  }
0x3c: {  	s12 =	simm.s32 $0x4100  }
0x3d: {  	[tilespmem:s21], [sflag:$0x3] =	stream.indirect.gather [hbm4b:s5+s19], $0x80, s12, s19, $0xb8;
	[tilespmem:$0x17100] =	vst v63  }
0x3e: {  	_ =	swait.ge [sflag:s31], $0x2800  }
0x3f: {  	[sflag:s31] =	ssyncset.done $0x0  }
0x40: {  	[sflag:s31] =	ssyncadd.s32 $0xFFFFD800  }
0x41: {  	_ =	swait.ge [sflag:s0], $0x2800  }
0x42: {  	[sflag:s0] =	ssyncset.done $0x0  }
0x43: {  	[sflag:s0] =	ssyncadd.s32 $0xFFFFD800  }
0x44: {  	[spmem:s10] =	stream.linear.scatter [tilespmem:s23], [sflag:$0x7], $0x2800, $0x38;
	[tilespmem:$0x17100] =	vst v63  }
0x45: {  	_ =	swait.ge [sflag:s16], $0x2800  }
0x46: {  	[sflag:s16] =	ssyncset.done $0x0  }
0x47: {  	[sflag:s16] =	ssyncadd.s32 $0xFFFFD800  }
0x48: {  	[spmem:s3] =	stream.indirect.scatter.add.f32 [tilespmem:s25], [sflag:$0x7], $0x80, s22, s19, $0xb8;
	[tilespmem:$0x17100] =	vst v63  }
0x49: {  	_ =	swait.ge [sflag:s16], $0x2800  }
0x4a: {  	s14 =	simm.s32 $0x180;
	s7 =	sor.u32 $0x1C06, s4;
	[sflag:s16] =	ssyncset.done $0x0  }
0x4b: {  	s9 =	sshrl.u32 s10, $0x3;
	s13 =	rddreg [dreg:$0x9];
	[sflag:s16] =	ssyncadd.s32 $0xFFFFD800  }
0x4c: {  	[hbm:s13], [sflag:s7] =	dma.local [spmem:s9], $0x500  }
0x4d: {  	[tilespmem:s23], [sflag:$0x2] =	stream.indirect.gather [hbm4b:s1+s19], $0x80, s14, s19, $0xb8;
	[tilespmem:$0x17100] =	vst v63  }
0x4e: {  	s15 =	simm.s32 $0x4180  }
0x4f: {  	[tilespmem:s25], [sflag:$0x4] =	stream.indirect.gather [hbm4b:s5+s19], $0x80, s15, s19, $0xb8;
	[tilespmem:$0x17100] =	vst v63  }
0x50: {  	_ =	swait.ge [sflag:s26], $0x2800  }
0x51: {  	[sflag:s26] =	ssyncset.done $0x0  }
0x52: {  	[sflag:s26] =	ssyncadd.s32 $0xFFFFD800  }
0x53: {  	_ =	swait.ge [sflag:s28], $0x2800  }
0x54: {  	[sflag:s28] =	ssyncset.done $0x0  }
0x55: {  	[sflag:s28] =	ssyncadd.s32 $0xFFFFD800  }
0x56: {  	_ =	swait.ge [sflag:s24], $0x500  }
0x57: {  	[sflag:s24] =	ssyncset.done $0x0  }
0x58: {  	[sflag:s24] =	ssyncadd.s32 $0xFFFFFB00  }
0x59: {  	[spmem:s8] =	stream.linear.scatter [tilespmem:s20], [sflag:$0x7], $0x2800, $0x38;
	[tilespmem:$0x17100] =	vst v63  }
0x5a: {  	_ =	swait.ge [sflag:s16], $0x2800  }
0x5b: {  	[sflag:s16] =	ssyncset.done $0x0  }
0x5c: {  	[sflag:s16] =	ssyncadd.s32 $0xFFFFD800  }
0x5d: {  	[spmem:s3] =	stream.indirect.scatter.add.f32 [tilespmem:s21], [sflag:$0x7], $0x80, s18, s19, $0xb8;
	[tilespmem:$0x17100] =	vst v63  }
0x5e: {  	_ =	swait.ge [sflag:s16], $0x2800  }
0x5f: {  	[sflag:s16] =	ssyncset.done $0x0  }
0x60: {  	s17 =	simm.s32 $0x200;
	s12 =	rddreg [dreg:$0xb];
	[sflag:s16] =	ssyncadd.s32 $0xFFFFD800  }
0x61: {  	[hbm:s12], [sflag:s30] =	dma.local [spmem:s6], $0x500  }
0x62: {  	[tilespmem:s20], [sflag:$0x1] =	stream.indirect.gather [hbm4b:s1+s19], $0x80, s17, s19, $0xb8;
	[tilespmem:$0x17100] =	vst v63  }
0x63: {  	s29 =	simm.s32 $0x4200  }
0x64: {  	[tilespmem:s21], [sflag:$0x3] =	stream.indirect.gather [hbm4b:s5+s19], $0x80, s29, s19, $0xb8;
	[tilespmem:$0x17100] =	vst v63  }
0x65: {  	_ =	swait.ge [sflag:s31], $0x2800  }
0x66: {  	[sflag:s31] =	ssyncset.done $0x0  }
0x67: {  	[sflag:s31] =	ssyncadd.s32 $0xFFFFD800  }
0x68: {  	_ =	swait.ge [sflag:s0], $0x2800  }
0x69: {  	[sflag:s0] =	ssyncset.done $0x0  }
0x6a: {  	[sflag:s0] =	ssyncadd.s32 $0xFFFFD800  }
0x6b: {  	_ =	swait.ge [sflag:s2], $0x500  }
0x6c: {  	[sflag:s2] =	ssyncset.done $0x0  }
0x6d: {  	[sflag:s2] =	ssyncadd.s32 $0xFFFFFB00  }
0x6e: {  	[spmem:s10] =	stream.linear.scatter [tilespmem:s23], [sflag:$0x7], $0x2800, $0x38;
	[tilespmem:$0x17100] =	vst v63  }
0x6f: {  	_ =	swait.ge [sflag:s16], $0x2800  }
0x70: {  	[sflag:s16] =	ssyncset.done $0x0  }
0x71: {  	[sflag:s16] =	ssyncadd.s32 $0xFFFFD800  }
0x72: {  	[spmem:s3] =	stream.indirect.scatter.add.f32 [tilespmem:s25], [sflag:$0x7], $0x80, s22, s19, $0xb8;
	[tilespmem:$0x17100] =	vst v63  }
0x73: {  	s13 =	simm.s32 $0x100;
	s11 =	sadd.s32 $0xA00, s12;
	_ =	swait.ge [sflag:s16], $0x2800  }
0x74: {  	s15 =	sadd.s32 $0x500, s12;
	s17 =	simm.s32 $0x800;
	[sflag:s16] =	ssyncset.done $0x0  }
.LBB2_2:
0x75: {  	s29 =	sadd.s32 $0x180, s13;
	[sflag:s16] =	ssyncadd.s32 $0xFFFFD800  }
0x76: {  	s14 =	smov.u32 s17;
	s4 =	sadd.s32 $0x400, s17;
	s12 =	smov.u32 s11  }
0x77: {  	[hbm:s15], [sflag:s7] =	dma.local [spmem:s9], $0x500  }
0x78: {  	[tilespmem:s23], [sflag:$0x2] =	stream.indirect.gather [hbm4b:s1+s19], $0x80, s29, s19, $0xb8;
	[tilespmem:$0x17100] =	vst v63  }
0x79: {  	p0 =	sne.s32 s17, $0xF000;
	s15 =	sadd.s32 $0x4180, s13  }
0x7a: {  	[tilespmem:s25], [sflag:$0x4] =	stream.indirect.gather [hbm4b:s5+s19], $0x80, s15, s19, $0xb8;
	[tilespmem:$0x17100] =	vst v63  }
0x7b: {  	_ =	swait.ge [sflag:s26], $0x2800  }
0x7c: {  	[sflag:s26] =	ssyncset.done $0x0  }
0x7d: {  	[sflag:s26] =	ssyncadd.s32 $0xFFFFD800  }
0x7e: {  	_ =	swait.ge [sflag:s28], $0x2800  }
0x7f: {  	[sflag:s28] =	ssyncset.done $0x0  }
0x80: {  	[sflag:s28] =	ssyncadd.s32 $0xFFFFD800  }
0x81: {  	_ =	swait.ge [sflag:s24], $0x500  }
0x82: {  	[sflag:s24] =	ssyncset.done $0x0  }
0x83: {  	[sflag:s24] =	ssyncadd.s32 $0xFFFFFB00  }
0x84: {  	[spmem:s8] =	stream.linear.scatter [tilespmem:s20], [sflag:$0x7], $0x2800, $0x38;
	[tilespmem:$0x17100] =	vst v63  }
0x85: {  	_ =	swait.ge [sflag:s16], $0x2800  }
0x86: {  	[sflag:s16] =	ssyncset.done $0x0  }
0x87: {  	[sflag:s16] =	ssyncadd.s32 $0xFFFFD800  }
0x88: {  	[spmem:s3] =	stream.indirect.scatter.add.f32 [tilespmem:s21], [sflag:$0x7], $0x80, s18, s19, $0xb8;
	[tilespmem:$0x17100] =	vst v63  }
0x89: {  	_ =	swait.ge [sflag:s16], $0x2800  }
0x8a: {  	[sflag:s16] =	ssyncset.done $0x0  }
0x8b: {  	s15 =	sadd.s32 $0x200, s13;
	[sflag:s16] =	ssyncadd.s32 $0xFFFFD800  }
0x8c: {  	[hbm:s11], [sflag:s30] =	dma.local [spmem:s6], $0x500  }
0x8d: {  	[tilespmem:s20], [sflag:$0x1] =	stream.indirect.gather [hbm4b:s1+s19], $0x80, s15, s19, $0xb8;
	[tilespmem:$0x17100] =	vst v63  }
0x8e: {  	s13 =	sadd.s32 $0x4200, s13  }
0x8f: {  	[tilespmem:s21], [sflag:$0x3] =	stream.indirect.gather [hbm4b:s5+s19], $0x80, s13, s19, $0xb8;
	[tilespmem:$0x17100] =	vst v63  }
0x90: {  	_ =	swait.ge [sflag:s31], $0x2800  }
0x91: {  	[sflag:s31] =	ssyncset.done $0x0  }
0x92: {  	[sflag:s31] =	ssyncadd.s32 $0xFFFFD800  }
0x93: {  	_ =	swait.ge [sflag:s0], $0x2800  }
0x94: {  	[sflag:s0] =	ssyncset.done $0x0  }
0x95: {  	[sflag:s0] =	ssyncadd.s32 $0xFFFFD800  }
0x96: {  	_ =	swait.ge [sflag:s2], $0x500  }
0x97: {  	[sflag:s2] =	ssyncset.done $0x0  }
0x98: {  	[sflag:s2] =	ssyncadd.s32 $0xFFFFFB00  }
0x99: {  	[spmem:s10] =	stream.linear.scatter [tilespmem:s23], [sflag:$0x7], $0x2800, $0x38;
	[tilespmem:$0x17100] =	vst v63  }
0x9a: {  	_ =	swait.ge [sflag:s16], $0x2800  }
.Ltmp0:
0x9b: {  	[sflag:s16] =	ssyncset.done $0x0;
	(pc) =	sbr.rel @p0 .LBB2_2-.Ltmp0, $4  }
0x9c: {  	[sflag:s16] =	ssyncadd.s32 $0xFFFFD800  }
0x9d: {  	[spmem:s3] =	stream.indirect.scatter.add.f32 [tilespmem:s25], [sflag:$0x7], $0x80, s22, s19, $0xb8;
	[tilespmem:$0x17100] =	vst v63  }
0x9e: {  	s17 =	smov.u32 s4;
	s11 =	sadd.s32 $0xA00, s11;
	_ =	swait.ge [sflag:s16], $0x2800  }
0x9f: {  	s15 =	sadd.s32 $0x500, s12;
	s13 =	sshra.s32 s14, $0x2;
	[sflag:s16] =	ssyncset.done $0x0  }
0xa0: {  	[sflag:s16] =	ssyncadd.s32 $0xFFFFD800;
	s4 =	sadd.s32 $0x180, s13  }
0xa1: {  	[hbm:s15], [sflag:s7] =	dma.local [spmem:s9], $0x500  }
0xa2: {  	[tilespmem:s23], [sflag:$0x2] =	stream.indirect.gather [hbm4b:s1+s19], $0x80, s4, s19, $0xb8;
	[tilespmem:$0x17100] =	vst v63  }
0xa3: {  	s29 =	sadd.s32 $0x4180, s13  }
0xa4: {  	[tilespmem:s25], [sflag:$0x4] =	stream.indirect.gather [hbm4b:s5+s19], $0x80, s29, s19, $0xb8;
	[tilespmem:$0x17100] =	vst v63  }
0xa5: {  	_ =	swait.ge [sflag:s26], $0x2800  }
0xa6: {  	[sflag:s26] =	ssyncset.done $0x0  }
0xa7: {  	[sflag:s26] =	ssyncadd.s32 $0xFFFFD800  }
0xa8: {  	_ =	swait.ge [sflag:s28], $0x2800  }
0xa9: {  	[sflag:s28] =	ssyncset.done $0x0  }
0xaa: {  	[sflag:s28] =	ssyncadd.s32 $0xFFFFD800  }
0xab: {  	_ =	swait.ge [sflag:s24], $0x500  }
0xac: {  	[sflag:s24] =	ssyncset.done $0x0  }
0xad: {  	[sflag:s24] =	ssyncadd.s32 $0xFFFFFB00  }
0xae: {  	[spmem:s8] =	stream.linear.scatter [tilespmem:s20], [sflag:$0x7], $0x2800, $0x38;
	[tilespmem:$0x17100] =	vst v63  }
0xaf: {  	_ =	swait.ge [sflag:s16], $0x2800  }
0xb0: {  	[sflag:s16] =	ssyncset.done $0x0  }
0xb1: {  	[sflag:s16] =	ssyncadd.s32 $0xFFFFD800  }
0xb2: {  	[spmem:s3] =	stream.indirect.scatter.add.f32 [tilespmem:s21], [sflag:$0x7], $0x80, s18, s19, $0xb8;
	[tilespmem:$0x17100] =	vst v63  }
0xb3: {  	_ =	swait.ge [sflag:s16], $0x2800  }
0xb4: {  	[sflag:s16] =	ssyncset.done $0x0  }
0xb5: {  	s12 =	sadd.s32 $0x200, s13;
	[sflag:s16] =	ssyncadd.s32 $0xFFFFD800  }
0xb6: {  	[hbm:s11], [sflag:s30] =	dma.local [spmem:s6], $0x500  }
0xb7: {  	[tilespmem:s20], [sflag:$0x1] =	stream.indirect.gather [hbm4b:s1+s19], $0x80, s12, s19, $0xb8;
	[tilespmem:$0x17100] =	vst v63  }
0xb8: {  	s14 =	sadd.s32 $0x4200, s13  }
0xb9: {  	[tilespmem:s21], [sflag:$0x3] =	stream.indirect.gather [hbm4b:s5+s19], $0x80, s14, s19, $0xb8;
	[tilespmem:$0x17100] =	vst v63  }
0xba: {  	_ =	swait.ge [sflag:s31], $0x2800  }
0xbb: {  	[sflag:s31] =	ssyncset.done $0x0  }
0xbc: {  	[sflag:s31] =	ssyncadd.s32 $0xFFFFD800  }
0xbd: {  	_ =	swait.ge [sflag:s0], $0x2800  }
0xbe: {  	[sflag:s0] =	ssyncset.done $0x0  }
0xbf: {  	[sflag:s0] =	ssyncadd.s32 $0xFFFFD800  }
0xc0: {  	_ =	swait.ge [sflag:s2], $0x500  }
0xc1: {  	[sflag:s2] =	ssyncset.done $0x0  }
0xc2: {  	[sflag:s2] =	ssyncadd.s32 $0xFFFFFB00  }
0xc3: {  	[spmem:s10] =	stream.linear.scatter [tilespmem:s23], [sflag:$0x7], $0x2800, $0x38;
	[tilespmem:$0x17100] =	vst v63  }
0xc4: {  	_ =	swait.ge [sflag:s16], $0x2800  }
0xc5: {  	[sflag:s16] =	ssyncset.done $0x0  }
0xc6: {  	[sflag:s16] =	ssyncadd.s32 $0xFFFFD800  }
0xc7: {  	[spmem:s3] =	stream.indirect.scatter.add.f32 [tilespmem:s25], [sflag:$0x7], $0x80, s22, s19, $0xb8;
	[tilespmem:$0x17100] =	vst v63  }
0xc8: {  	_ =	swait.ge [sflag:s16], $0x2800  }
0xc9: {  	[sflag:s16] =	ssyncset.done $0x0  }
0xca: {  	s15 =	sadd.s32 $0x500, s11;
	[sflag:s16] =	ssyncadd.s32 $0xFFFFD800  }
0xcb: {  	[hbm:s15], [sflag:s7] =	dma.local [spmem:s9], $0x500  }
0xcc: {  	_ =	swait.ge [sflag:s26], $0x2800  }
0xcd: {  	[sflag:s26] =	ssyncset.done $0x0  }
0xce: {  	[sflag:s26] =	ssyncadd.s32 $0xFFFFD800  }
0xcf: {  	_ =	swait.ge [sflag:s28], $0x2800  }
0xd0: {  	[sflag:s28] =	ssyncset.done $0x0  }
0xd1: {  	[sflag:s28] =	ssyncadd.s32 $0xFFFFD800  }
0xd2: {  	_ =	swait.ge [sflag:s24], $0x500  }
0xd3: {  	[sflag:s24] =	ssyncset.done $0x0  }
0xd4: {  	[sflag:s24] =	ssyncadd.s32 $0xFFFFFB00  }
0xd5: {  	[spmem:s8] =	stream.linear.scatter [tilespmem:s20], [sflag:$0x7], $0x2800, $0x38;
	[tilespmem:$0x17100] =	vst v63  }
0xd6: {  	_ =	swait.ge [sflag:s16], $0x2800  }
0xd7: {  	[sflag:s16] =	ssyncset.done $0x0  }
0xd8: {  	[sflag:s16] =	ssyncadd.s32 $0xFFFFD800  }
0xd9: {  	[spmem:s3] =	stream.indirect.scatter.add.f32 [tilespmem:s21], [sflag:$0x7], $0x80, s18, s19, $0xb8;
	[tilespmem:$0x17100] =	vst v63  }
0xda: {  	_ =	swait.ge [sflag:s16], $0x2800  }
0xdb: {  	[sflag:s16] =	ssyncset.done $0x0  }
0xdc: {  	s17 =	rddreg [dreg:$0xa];
	[sflag:s16] =	ssyncadd.s32 $0xFFFFD800  }
0xdd: {  	[hbm:s17], [sflag:s30] =	dma.local [spmem:s6], $0x500  }
0xde: {  	_ =	swait.ge [sflag:s2], $0x500  }
0xdf: {  	[sflag:s2] =	ssyncset.done $0x0  }
0xe0: {  	[sflag:s2] =	ssyncadd.s32 $0xFFFFFB00  }
0xe1: {  	_ =	swait.ge [sflag:s24], $0x500  }
0xe2: {  	s29 =	rddreg [dreg:$0xc]  }
0xe3: {  	s30 =	rddreg [dreg:$0x7];
	s6 =	sadd.s32 $0x1, s29  }
0xe4: {  	p0 =	sne.s32 s6, s30  }
.Ltmp1:
0xe5: {  	_ = 	snop;
	(pc) =	sbr.rel @p0 .LBB2_1-.Ltmp1, $3  }
0xe6: {  	_ =	sdelay $0x1  }
0xe7: {  	[sflag:s24] =	ssyncset.done $0x0  }
0xe8: {  	[sflag:s24] =	ssyncadd.s32 $0xFFFFFB00  }
0xe9: {  	_ =	sfence.sel $0x180000  }
0xea: {  	[bflag:$0x0] =	sbarrier.arrive $0xFFFF  }
0xeb: {  	_ =	strace $0x90000047  }
0xec: {  	s0 =	stileid.u32;
	[bflag:$0x2] =	sbarrier.arrive $0xFFFF  }
0xed: {  	p0 =	sne.s32 s0, $0x0;
	s0 =	rddreg [dreg:$0x3]  }
0xee: {  	s0 =	sadd.s32 @!p0 $0x100000, s0  }
0xef: {  	[sflag:s0] =	ssyncadd.tile.s32 @!p0 $0x1;
	_ =	shalt  }
.Lfunc_end2:
_tile_overlayer_lowered:
.L_overlay_start_2:
0xf0: {  	(tag) =	ssettag $0x2  }
0xf1: {  	s0 =	rddreg [dreg:$0x0];
	s2 =	stileid.u32  }
0xf2: {  	s1 =	rddreg [dreg:$0x1];
	p0 =	sne.s32 s2, $0x0  }
0xf3: {  	s3 =	rddreg [dreg:$0x2];
	[bflag:$0x3] =	sbarrier.arrive $0xFFFF;
	s2 =	simm.s32 @!p0 $0x1C07  }
0xf4: {  	[timem:s3], [sflag:s2] =	dma.local @!p0 [hbm:s0], s1  }
0xf5: {  	s0 =	simm.s32 @!p0 $0x7  }
0xf6: {  	_ =	swait.ge @!p0 [sflag:s0], s1  }
0xf7: {  	s1 =	ssub.s32 @!p0 $0x0, s1;
	[sflag:s0] =	ssyncset.done @!p0 $0x0  }
0xf8: {  	[sflag:s0] =	ssyncadd.s32 @!p0 s1  }
0xf9: {  	[bflag:$0x3] =	sbarrier.arrive $0xFFFF  }
0xfa: {  	_ =	shalt  }

</sc_bundles>
